<compile_context>
chip_gen: v7x
topology: tpu7x:2x2x1
jax: 0.10.2.dev20260603
libtpu: 0.0.44.dev20260713+nightly
codegen_flags: <defaults>
</compile_context>

<pallas_src>
import dataclasses
import functools

import jax
import jax.numpy as jnp
from jax import lax
from jax.experimental import pallas as pl
from jax.experimental.pallas import tpu as pltpu
from jax.experimental.pallas import tpu_sc as plsc

NUM_CORES = 2
NUM_SUBCORES = 16
NUM_TILES = NUM_CORES * NUM_SUBCORES
EDGE_BLK = 128
LANES = 16
F_ROW, F_ATT, F_COL = 0, 1, 2


@functools.partial(jax.jit, static_argnames=("n_pad", "chunks", "feat"))
def _sc_scatter(h_in, aux4, zeros_tile, *, n_pad, chunks, feat):
    mesh = plsc.VectorSubcoreMesh(core_axis_name="c", subcore_axis_name="s")
    rows_per_tile = n_pad // NUM_SUBCORES

    cp = pltpu.CompilerParams()
    if "needs_layout_passes" in pltpu.CompilerParams.__dataclass_fields__:
        cp = dataclasses.replace(cp, needs_layout_passes=False)

    @functools.partial(
        pl.kernel,
        mesh=mesh,
        compiler_params=cp,
        out_type=jax.ShapeDtypeStruct((NUM_CORES, n_pad, feat), jnp.float32),
        scratch_types=[
            pltpu.VMEM_SHARED((n_pad, feat), jnp.float32),
            pltpu.VMEM((12, EDGE_BLK), jnp.int32),
            pltpu.VMEM((EDGE_BLK, feat), jnp.float32),
            pltpu.VMEM((EDGE_BLK, feat), jnp.float32),
            pltpu.SemaphoreType.DMA,
            pltpu.SemaphoreType.DMA,
            pltpu.SemaphoreType.DMA,
            pltpu.SemaphoreType.DMA,
            pltpu.SemaphoreType.DMA,
            pltpu.SemaphoreType.DMA,
        ],
    )
    def k(h_hbm, aux_hbm, zeros_hbm, out_hbm,
          acc, aux_v, msgs_a, msgs_b, sga, sgb, sx0, sx1, sx2, sx3):
        c = lax.axis_index("c")
        s = lax.axis_index("s")
        wid = c * NUM_SUBCORES + s
        base = s * rows_per_tile
        sx = (sx0, sx1, sx2, sx3)

        def aux_fetch(j, b):
            pltpu.async_copy(aux_hbm.at[wid, j], aux_v.at[pl.ds(b * 3, 3)], sx[b])

        def aux_wait(b):
            pltpu.make_async_copy(
                aux_hbm.at[wid, 0], aux_v.at[pl.ds(b * 3, 3)], sx[b]).wait()

        def gather(b, msgs, sem):
            pltpu.async_copy(h_hbm.at[aux_v.at[b * 3 + F_COL]], msgs, sem)

        def gather_wait(msgs, sem):
            pltpu.make_async_copy(h_hbm.at[aux_v.at[F_COL]], msgs, sem).wait()

        def scale(msgs, b):
            rb = jnp.full((LANES,), b * 3 + F_ATT, jnp.int32)

            @pl.loop(0, EDGE_BLK)
            def _(e):
                ee = jnp.full((LANES,), e, jnp.int32)
                att = plsc.bitcast(
                    plsc.load_gather(aux_v, [rb, ee]), jnp.float32)
                for kk in range(feat // LANES):
                    sl = pl.ds(kk * LANES, LANES)
                    msgs[e, sl] = msgs[e, sl] * att

        def scatter(msgs, b):
            pltpu.sync_copy(msgs, acc.at[aux_v.at[b * 3 + F_ROW]], add=True)

        pltpu.sync_copy(zeros_hbm, acc.at[pl.ds(base, rows_per_tile)])
        plsc.subcore_barrier()

        for b in range(4):
            aux_fetch(b, b)
        aux_wait(0)
        gather(0, msgs_a, sga)
        aux_wait(1)
        gather(1, msgs_b, sgb)

        @pl.loop(0, chunks, step=4)
        def _(j):
            def clamp(d):
                return jnp.minimum(j + d, chunks - 1)

            gather_wait(msgs_a, sga)
            scale(msgs_a, 0)
            scatter(msgs_a, 0)
            aux_fetch(clamp(4), 0)
            aux_wait(2)
            gather(2, msgs_a, sga)
            gather_wait(msgs_b, sgb)
            scale(msgs_b, 1)
            scatter(msgs_b, 1)
            aux_fetch(clamp(5), 1)
            aux_wait(3)
            gather(3, msgs_b, sgb)
            gather_wait(msgs_a, sga)
            scale(msgs_a, 2)
            scatter(msgs_a, 2)
            aux_fetch(clamp(6), 2)
            aux_wait(0)
            gather(0, msgs_a, sga)
            gather_wait(msgs_b, sgb)
            scale(msgs_b, 3)
            scatter(msgs_b, 3)
            aux_fetch(clamp(7), 3)
            aux_wait(1)
            gather(1, msgs_b, sgb)

        gather_wait(msgs_a, sga)
        gather_wait(msgs_b, sgb)
        aux_wait(2)
        aux_wait(3)

        plsc.subcore_barrier()
        pltpu.sync_copy(
            acc.at[pl.ds(base, rows_per_tile)],
            out_hbm.at[c, pl.ds(base, rows_per_tile)],
        )

    return k(h_in, aux4, zeros_tile)


def _tc_finish(partials, w, n_out):
    feat = partials.shape[2]
    blk = 1000
    nblk = n_out // blk

    def body(p_ref, w_ref, o_ref):
        x = p_ref[0] + p_ref[1]
        o_ref[...] = jnp.dot(x, w_ref[...], preferred_element_type=jnp.float32)

    return pl.pallas_call(
        body,
        out_shape=jax.ShapeDtypeStruct((n_out, feat), jnp.float32),
        grid=(nblk,),
        in_specs=[
            pl.BlockSpec((NUM_CORES, blk, feat), lambda i: (0, i, 0)),
            pl.BlockSpec((feat, feat), lambda i: (0, 0)),
        ],
        out_specs=pl.BlockSpec((blk, feat), lambda i: (i, 0)),
    )(partials, w)


def kernel(h, edge_index, attn, W_T):
    n_nodes, feat = h.shape
    n_edges = attn.shape[0]
    row = edge_index[0].astype(jnp.int32)
    col = edge_index[1].astype(jnp.int32)
    attn = attn.astype(jnp.float32)

    per = NUM_TILES * EDGE_BLK
    chunks = -(-n_edges // per)
    chunks = -(-chunks // 4) * 4
    e_pad = chunks * per
    pad = e_pad - n_edges
    if pad:
        row = jnp.concatenate([row, jnp.zeros((pad,), jnp.int32)])
        col = jnp.concatenate([col, jnp.zeros((pad,), jnp.int32)])
        attn = jnp.concatenate([attn, jnp.zeros((pad,), jnp.float32)])
    aux4 = jnp.stack(
        [row.reshape(NUM_TILES, chunks, EDGE_BLK),
         lax.bitcast_convert_type(attn, jnp.int32).reshape(
             NUM_TILES, chunks, EDGE_BLK),
         col.reshape(NUM_TILES, chunks, EDGE_BLK)],
        axis=2,
    )
    n_pad = -(-n_nodes // 128) * 128
    zeros_tile = jnp.zeros((n_pad // NUM_SUBCORES, feat), jnp.float32)

    partials = _sc_scatter(
        h, aux4, zeros_tile,
        n_pad=n_pad, chunks=chunks, feat=feat,
    )
    return _tc_finish(partials, W_T, n_nodes)

# --- scband reference (transcript-rebuilt; emitter-appended) ---
"""Pipeline reference for scband-gatedecoder-layer-75084618268884 (READ-ONLY COPY).

The authoritative reference and input builder live on the scoring server;
editing this copy changes nothing except your own understanding.
"""

import jax, jax.numpy as jnp
import numpy as np

N_NODES = 10000
N_EDGES = 320000
IN_DIM = 128
OUT_DIM = 128

def setup_inputs(seed: int = 0) -> dict:
    key = jax.random.key(seed)
    k1, k2, k3, k4 = jax.random.split(key, 4)
    h = jax.random.normal(k1, (N_NODES, IN_DIM), dtype=jnp.float32)
    edge_index = jax.random.randint(k2, (2, N_EDGES), 0, N_NODES, dtype=jnp.int64)
    attn = jax.random.uniform(k3, (N_EDGES,), dtype=jnp.float32)
    # Learned parameter: W_T = encoder_layer.W.weight with shape [in_dim, out_dim]
    W_T = jax.random.normal(k4, (IN_DIM, OUT_DIM), dtype=jnp.float32) * 0.02
    return {"h": h, "edge_index": edge_index, "attn": attn, "W_T": W_T}

def reference(h, edge_index, attn, W_T):
    # h = h @ W_T
    h2 = h @ W_T
    row = edge_index[0]
    col = edge_index[1]
    # gather source-node features, weight by attention
    msgs = h2[col] * attn[:, None]
    # scatter-add into destination nodes (torch index_add_)
    out = jnp.zeros((h.shape[0], W_T.shape[1]), dtype=h2.dtype).at[row].add(msgs)
    return out

if __name__ == "__main__":
    import jax
    _d = setup_inputs()
    print(jax.jit(kernel)(*tuple(_d.values())))

</pallas_src>

<mosaic_0001>
#map = affine_map<(d0, d1) -> (0, 0)>
#map1 = affine_map<(d0, d1) -> (0, 0, 0, 0)>
#map2 = affine_map<(d0, d1) -> (0, 0, 0)>
module attributes {stable_mosaic.version = 14 : i64} {
  func.func @k(%arg0: i32, %arg1: i32, %arg2: memref<10000x128xf32, #tpu.memory_space<hbm>>, %arg3: memref<32x80x3x128xi32, #tpu.memory_space<hbm>>, %arg4: memref<632x128xf32, #tpu.memory_space<hbm>>, %arg5: memref<2x10112x128xf32, #tpu.memory_space<hbm>>, %arg6: memref<10112x128xf32, #tpu.memory_space<vmem_shared>>, %arg7: memref<12x128xi32, #tpu.memory_space<vmem>>, %arg8: memref<128x128xf32, #tpu.memory_space<vmem>>, %arg9: memref<128x128xf32, #tpu.memory_space<vmem>>, %arg10: memref<!tpu.dma_semaphore, #tpu.memory_space<semaphore_mem>>, %arg11: memref<!tpu.dma_semaphore, #tpu.memory_space<semaphore_mem>>, %arg12: memref<!tpu.dma_semaphore, #tpu.memory_space<semaphore_mem>>, %arg13: memref<!tpu.dma_semaphore, #tpu.memory_space<semaphore_mem>>, %arg14: memref<!tpu.dma_semaphore, #tpu.memory_space<semaphore_mem>>, %arg15: memref<!tpu.dma_semaphore, #tpu.memory_space<semaphore_mem>>) attributes {dimension_semantics = [#tpu.dimension_semantics<core_parallel>, #tpu.dimension_semantics<subcore_parallel>], iteration_bounds = array<i64: 2, 16>, scalar_prefetch = 0 : i64, scratch_operands = 10 : i64, tpu.core_type = #tpu.core_type<sc_vector_subcore>, window_params = [{transform_indices = #map}, {transform_indices = #map1}, {transform_indices = #map}, {transform_indices = #map2}]} {
    %mul3A = arith.constant 16 : i32
    %mul3A_0 = arith.muli %arg0, %mul3A : i32
    %add3A = arith.addi %mul3A_0, %arg1 : i32
    %mul3A_1 = arith.constant 632 : i32
    %mul3A_2 = arith.muli %arg1, %mul3A_1 : i32
    "tpu.region"() ({
      %run_scoped3A = tpu.sem_alloc : memref<!tpu.dma_semaphore, #tpu.memory_space<semaphore_mem>>
      %dma_start3A_154 = arith.constant 0 : i32
      %dma_start3A_155 = tpu.memref_slice %arg6[%mul3A_2, %dma_start3A_154] : memref<10112x128xf32, #tpu.memory_space<vmem_shared>> -> memref<632x128xf32, #tpu.memory_space<vmem_shared>>
      tpu.enqueue_dma source(%arg4 : memref<632x128xf32, #tpu.memory_space<hbm>>) target(%dma_start3A_155 : memref<632x128xf32, #tpu.memory_space<vmem_shared>>) target_semaphore(%run_scoped3A : memref<!tpu.dma_semaphore, #tpu.memory_space<semaphore_mem>>)
      %dma_wait3A_156 = arith.constant 0 : i32
      %dma_wait3A_157 = tpu.memref_slice %arg6[%mul3A_2, %dma_wait3A_156] : memref<10112x128xf32, #tpu.memory_space<vmem_shared>> -> memref<632x128xf32, #tpu.memory_space<vmem_shared>>
      tpu.wait_dma2 semaphore(%run_scoped3A : memref<!tpu.dma_semaphore, #tpu.memory_space<semaphore_mem>>) src(%arg4 : memref<632x128xf32, #tpu.memory_space<hbm>>) dst(%dma_wait3A_157 : memref<632x128xf32, #tpu.memory_space<vmem_shared>>)
      tpu.yield
    }) : () -> ()
    %barrier3A = arith.constant 0 : index
    tpu.barrier barrier_id(%barrier3A)
    %dma_start3A = arith.constant 0 : i32
    %dma_start3A_3 = arith.constant 0 : i32
    %dma_start3A_4 = arith.constant 0 : i32
    %dma_start3A_5 = tpu.memref_slice %arg7[%dma_start3A_3, %dma_start3A_4] : memref<12x128xi32, #tpu.memory_space<vmem>> -> memref<3x128xi32, #tpu.memory_space<vmem>>
    %dma_start3A_6 = arith.constant 0 : i32
    %dma_start3A_7 = arith.constant 0 : i32
    %dma_start3A_8 = tpu.memref_slice %arg3[%add3A, %dma_start3A, %dma_start3A_6, %dma_start3A_7] : memref<32x80x3x128xi32, #tpu.memory_space<hbm>> -> memref<1x1x3x128xi32, #tpu.memory_space<hbm>>
    %dma_start3A_9 = tpu.memref_squeeze %dma_start3A_8 : memref<1x1x3x128xi32, #tpu.memory_space<hbm>> -> memref<3x128xi32, #tpu.memory_space<hbm>>
    %dma_start3A_10 = arith.constant 0 : i32
    %dma_start3A_11 = arith.constant 0 : i32
    %dma_start3A_12 = tpu.memref_slice %arg7[%dma_start3A_10, %dma_start3A_11] : memref<12x128xi32, #tpu.memory_space<vmem>> -> memref<3x128xi32, #tpu.memory_space<vmem>>
    %dma_start3A_13 = arith.constant 0 : i32
    %dma_start3A_14 = arith.constant 0 : i32
    %dma_start3A_15 = tpu.memref_slice %arg3[%add3A, %dma_start3A, %dma_start3A_13, %dma_start3A_14] : memref<32x80x3x128xi32, #tpu.memory_space<hbm>> -> memref<1x1x3x128xi32, #tpu.memory_space<hbm>>
    %dma_start3A_16 = tpu.memref_squeeze %dma_start3A_15 : memref<1x1x3x128xi32, #tpu.memory_space<hbm>> -> memref<3x128xi32, #tpu.memory_space<hbm>>
    tpu.enqueue_dma source(%dma_start3A_16 : memref<3x128xi32, #tpu.memory_space<hbm>>) target(%dma_start3A_12 : memref<3x128xi32, #tpu.memory_space<vmem>>) target_semaphore(%arg12 : memref<!tpu.dma_semaphore, #tpu.memory_space<semaphore_mem>>)
    %dma_start3A_17 = arith.constant 1 : i32
    %dma_start3A_18 = arith.constant 3 : i32
    %dma_start3A_19 = arith.constant 0 : i32
    %dma_start3A_20 = tpu.memref_slice %arg7[%dma_start3A_18, %dma_start3A_19] : memref<12x128xi32, #tpu.memory_space<vmem>> -> memref<3x128xi32, #tpu.memory_space<vmem>>
    %dma_start3A_21 = arith.constant 0 : i32
    %dma_start3A_22 = arith.constant 0 : i32
    %dma_start3A_23 = tpu.memref_slice %arg3[%add3A, %dma_start3A_17, %dma_start3A_21, %dma_start3A_22] : memref<32x80x3x128xi32, #tpu.memory_space<hbm>> -> memref<1x1x3x128xi32, #tpu.memory_space<hbm>>
    %dma_start3A_24 = tpu.memref_squeeze %dma_start3A_23 : memref<1x1x3x128xi32, #tpu.memory_space<hbm>> -> memref<3x128xi32, #tpu.memory_space<hbm>>
    %dma_start3A_25 = arith.constant 3 : i32
    %dma_start3A_26 = arith.constant 0 : i32
    %dma_start3A_27 = tpu.memref_slice %arg7[%dma_start3A_25, %dma_start3A_26] : memref<12x128xi32, #tpu.memory_space<vmem>> -> memref<3x128xi32, #tpu.memory_space<vmem>>
    %dma_start3A_28 = arith.constant 0 : i32
    %dma_start3A_29 = arith.constant 0 : i32
    %dma_start3A_30 = tpu.memref_slice %arg3[%add3A, %dma_start3A_17, %dma_start3A_28, %dma_start3A_29] : memref<32x80x3x128xi32, #tpu.memory_space<hbm>> -> memref<1x1x3x128xi32, #tpu.memory_space<hbm>>
    %dma_start3A_31 = tpu.memref_squeeze %dma_start3A_30 : memref<1x1x3x128xi32, #tpu.memory_space<hbm>> -> memref<3x128xi32, #tpu.memory_space<hbm>>
    tpu.enqueue_dma source(%dma_start3A_31 : memref<3x128xi32, #tpu.memory_space<hbm>>) target(%dma_start3A_27 : memref<3x128xi32, #tpu.memory_space<vmem>>) target_semaphore(%arg13 : memref<!tpu.dma_semaphore, #tpu.memory_space<semaphore_mem>>)
    %dma_start3A_32 = arith.constant 2 : i32
    %dma_start3A_33 = arith.constant 6 : i32
    %dma_start3A_34 = arith.constant 0 : i32
    %dma_start3A_35 = tpu.memref_slice %arg7[%dma_start3A_33, %dma_start3A_34] : memref<12x128xi32, #tpu.memory_space<vmem>> -> memref<3x128xi32, #tpu.memory_space<vmem>>
    %dma_start3A_36 = arith.constant 0 : i32
    %dma_start3A_37 = arith.constant 0 : i32
    %dma_start3A_38 = tpu.memref_slice %arg3[%add3A, %dma_start3A_32, %dma_start3A_36, %dma_start3A_37] : memref<32x80x3x128xi32, #tpu.memory_space<hbm>> -> memref<1x1x3x128xi32, #tpu.memory_space<hbm>>
    %dma_start3A_39 = tpu.memref_squeeze %dma_start3A_38 : memref<1x1x3x128xi32, #tpu.memory_space<hbm>> -> memref<3x128xi32, #tpu.memory_space<hbm>>
    %dma_start3A_40 = arith.constant 6 : i32
    %dma_start3A_41 = arith.constant 0 : i32
    %dma_start3A_42 = tpu.memref_slice %arg7[%dma_start3A_40, %dma_start3A_41] : memref<12x128xi32, #tpu.memory_space<vmem>> -> memref<3x128xi32, #tpu.memory_space<vmem>>
    %dma_start3A_43 = arith.constant 0 : i32
    %dma_start3A_44 = arith.constant 0 : i32
    %dma_start3A_45 = tpu.memref_slice %arg3[%add3A, %dma_start3A_32, %dma_start3A_43, %dma_start3A_44] : memref<32x80x3x128xi32, #tpu.memory_space<hbm>> -> memref<1x1x3x128xi32, #tpu.memory_space<hbm>>
    %dma_start3A_46 = tpu.memref_squeeze %dma_start3A_45 : memref<1x1x3x128xi32, #tpu.memory_space<hbm>> -> memref<3x128xi32, #tpu.memory_space<hbm>>
    tpu.enqueue_dma source(%dma_start3A_46 : memref<3x128xi32, #tpu.memory_space<hbm>>) target(%dma_start3A_42 : memref<3x128xi32, #tpu.memory_space<vmem>>) target_semaphore(%arg14 : memref<!tpu.dma_semaphore, #tpu.memory_space<semaphore_mem>>)
    %dma_start3A_47 = arith.constant 3 : i32
    %dma_start3A_48 = arith.constant 9 : i32
    %dma_start3A_49 = arith.constant 0 : i32
    %dma_start3A_50 = tpu.memref_slice %arg7[%dma_start3A_48, %dma_start3A_49] : memref<12x128xi32, #tpu.memory_space<vmem>> -> memref<3x128xi32, #tpu.memory_space<vmem>>
    %dma_start3A_51 = arith.constant 0 : i32
    %dma_start3A_52 = arith.constant 0 : i32
    %dma_start3A_53 = tpu.memref_slice %arg3[%add3A, %dma_start3A_47, %dma_start3A_51, %dma_start3A_52] : memref<32x80x3x128xi32, #tpu.memory_space<hbm>> -> memref<1x1x3x128xi32, #tpu.memory_space<hbm>>
    %dma_start3A_54 = tpu.memref_squeeze %dma_start3A_53 : memref<1x1x3x128xi32, #tpu.memory_space<hbm>> -> memref<3x128xi32, #tpu.memory_space<hbm>>
    %dma_start3A_55 = arith.constant 9 : i32
    %dma_start3A_56 = arith.constant 0 : i32
    %dma_start3A_57 = tpu.memref_slice %arg7[%dma_start3A_55, %dma_start3A_56] : memref<12x128xi32, #tpu.memory_space<vmem>> -> memref<3x128xi32, #tpu.memory_space<vmem>>
    %dma_start3A_58 = arith.constant 0 : i32
    %dma_start3A_59 = arith.constant 0 : i32
    %dma_start3A_60 = tpu.memref_slice %arg3[%add3A, %dma_start3A_47, %dma_start3A_58, %dma_start3A_59] : memref<32x80x3x128xi32, #tpu.memory_space<hbm>> -> memref<1x1x3x128xi32, #tpu.memory_space<hbm>>
    %dma_start3A_61 = tpu.memref_squeeze %dma_start3A_60 : memref<1x1x3x128xi32, #tpu.memory_space<hbm>> -> memref<3x128xi32, #tpu.memory_space<hbm>>
    tpu.enqueue_dma source(%dma_start3A_61 : memref<3x128xi32, #tpu.memory_space<hbm>>) target(%dma_start3A_57 : memref<3x128xi32, #tpu.memory_space<vmem>>) target_semaphore(%arg15 : memref<!tpu.dma_semaphore, #tpu.memory_space<semaphore_mem>>)
    %dma_wait3A = arith.constant 0 : i32
    %dma_wait3A_62 = arith.constant 0 : i32
    %dma_wait3A_63 = arith.constant 0 : i32
    %dma_wait3A_64 = tpu.memref_slice %arg7[%dma_wait3A_62, %dma_wait3A_63] : memref<12x128xi32, #tpu.memory_space<vmem>> -> memref<3x128xi32, #tpu.memory_space<vmem>>
    %dma_wait3A_65 = arith.constant 0 : i32
    %dma_wait3A_66 = arith.constant 0 : i32
    %dma_wait3A_67 = tpu.memref_slice %arg3[%add3A, %dma_wait3A, %dma_wait3A_65, %dma_wait3A_66] : memref<32x80x3x128xi32, #tpu.memory_space<hbm>> -> memref<1x1x3x128xi32, #tpu.memory_space<hbm>>
    %dma_wait3A_68 = tpu.memref_squeeze %dma_wait3A_67 : memref<1x1x3x128xi32, #tpu.memory_space<hbm>> -> memref<3x128xi32, #tpu.memory_space<hbm>>
    %dma_wait3A_69 = arith.constant 0 : i32
    %dma_wait3A_70 = arith.constant 0 : i32
    %dma_wait3A_71 = tpu.memref_slice %arg7[%dma_wait3A_69, %dma_wait3A_70] : memref<12x128xi32, #tpu.memory_space<vmem>> -> memref<3x128xi32, #tpu.memory_space<vmem>>
    %dma_wait3A_72 = arith.constant 0 : i32
    %dma_wait3A_73 = arith.constant 0 : i32
    %dma_wait3A_74 = tpu.memref_slice %arg3[%add3A, %dma_wait3A, %dma_wait3A_72, %dma_wait3A_73] : memref<32x80x3x128xi32, #tpu.memory_space<hbm>> -> memref<1x1x3x128xi32, #tpu.memory_space<hbm>>
    %dma_wait3A_75 = tpu.memref_squeeze %dma_wait3A_74 : memref<1x1x3x128xi32, #tpu.memory_space<hbm>> -> memref<3x128xi32, #tpu.memory_space<hbm>>
    tpu.wait_dma2 semaphore(%arg12 : memref<!tpu.dma_semaphore, #tpu.memory_space<semaphore_mem>>) src(%dma_wait3A_75 : memref<3x128xi32, #tpu.memory_space<hbm>>) dst(%dma_wait3A_71 : memref<3x128xi32, #tpu.memory_space<vmem>>)
    %dma_start3A_76 = arith.constant 2 : i32
    %dma_start3A_77 = arith.constant 0 : i32
    %dma_start3A_78 = tpu.memref_slice %arg7[%dma_start3A_76, %dma_start3A_77] : memref<12x128xi32, #tpu.memory_space<vmem>> -> memref<1x128xi32, #tpu.memory_space<vmem>>
    %dma_start3A_79 = tpu.memref_squeeze %dma_start3A_78 : memref<1x128xi32, #tpu.memory_space<vmem>> -> memref<128xi32, #tpu.memory_space<vmem>>
    %dma_start3A_80 = arith.constant 0 : i32
    %dma_start3A_81 = arith.constant 0 : i32
    %dma_start3A_82 = tpu.memref_slice %arg2[%dma_start3A_80, %dma_start3A_81] : memref<10000x128xf32, #tpu.memory_space<hbm>> -> memref<10000x128xf32, #tpu.memory_space<hbm>>
    tpu.enqueue_indirect_dma source(%dma_start3A_82 : memref<10000x128xf32, #tpu.memory_space<hbm>>) target(%arg8 : memref<128x128xf32, #tpu.memory_space<vmem>>) offsets(%dma_start3A_79 : memref<128xi32, #tpu.memory_space<vmem>>) semaphore(%arg10 : memref<!tpu.dma_semaphore, #tpu.memory_space<semaphore_mem>>)
    %dma_wait3A_83 = arith.constant 0 : i32
    %dma_wait3A_84 = arith.constant 3 : i32
    %dma_wait3A_85 = arith.constant 0 : i32
    %dma_wait3A_86 = tpu.memref_slice %arg7[%dma_wait3A_84, %dma_wait3A_85] : memref<12x128xi32, #tpu.memory_space<vmem>> -> memref<3x128xi32, #tpu.memory_space<vmem>>
    %dma_wait3A_87 = arith.constant 0 : i32
    %dma_wait3A_88 = arith.constant 0 : i32
    %dma_wait3A_89 = tpu.memref_slice %arg3[%add3A, %dma_wait3A_83, %dma_wait3A_87, %dma_wait3A_88] : memref<32x80x3x128xi32, #tpu.memory_space<hbm>> -> memref<1x1x3x128xi32, #tpu.memory_space<hbm>>
    %dma_wait3A_90 = tpu.memref_squeeze %dma_wait3A_89 : memref<1x1x3x128xi32, #tpu.memory_space<hbm>> -> memref<3x128xi32, #tpu.memory_space<hbm>>
    %dma_wait3A_91 = arith.constant 3 : i32
    %dma_wait3A_92 = arith.constant 0 : i32
    %dma_wait3A_93 = tpu.memref_slice %arg7[%dma_wait3A_91, %dma_wait3A_92] : memref<12x128xi32, #tpu.memory_space<vmem>> -> memref<3x128xi32, #tpu.memory_space<vmem>>
    %dma_wait3A_94 = arith.constant 0 : i32
    %dma_wait3A_95 = arith.constant 0 : i32
    %dma_wait3A_96 = tpu.memref_slice %arg3[%add3A, %dma_wait3A_83, %dma_wait3A_94, %dma_wait3A_95] : memref<32x80x3x128xi32, #tpu.memory_space<hbm>> -> memref<1x1x3x128xi32, #tpu.memory_space<hbm>>
    %dma_wait3A_97 = tpu.memref_squeeze %dma_wait3A_96 : memref<1x1x3x128xi32, #tpu.memory_space<hbm>> -> memref<3x128xi32, #tpu.memory_space<hbm>>
    tpu.wait_dma2 semaphore(%arg13 : memref<!tpu.dma_semaphore, #tpu.memory_space<semaphore_mem>>) src(%dma_wait3A_97 : memref<3x128xi32, #tpu.memory_space<hbm>>) dst(%dma_wait3A_93 : memref<3x128xi32, #tpu.memory_space<vmem>>)
    %dma_start3A_98 = arith.constant 5 : i32
    %dma_start3A_99 = arith.constant 0 : i32
    %dma_start3A_100 = tpu.memref_slice %arg7[%dma_start3A_98, %dma_start3A_99] : memref<12x128xi32, #tpu.memory_space<vmem>> -> memref<1x128xi32, #tpu.memory_space<vmem>>
    %dma_start3A_101 = tpu.memref_squeeze %dma_start3A_100 : memref<1x128xi32, #tpu.memory_space<vmem>> -> memref<128xi32, #tpu.memory_space<vmem>>
    %dma_start3A_102 = arith.constant 0 : i32
    %dma_start3A_103 = arith.constant 0 : i32
    %dma_start3A_104 = tpu.memref_slice %arg2[%dma_start3A_102, %dma_start3A_103] : memref<10000x128xf32, #tpu.memory_space<hbm>> -> memref<10000x128xf32, #tpu.memory_space<hbm>>
    tpu.enqueue_indirect_dma source(%dma_start3A_104 : memref<10000x128xf32, #tpu.memory_space<hbm>>) target(%arg9 : memref<128x128xf32, #tpu.memory_space<vmem>>) offsets(%dma_start3A_101 : memref<128xi32, #tpu.memory_space<vmem>>) semaphore(%arg11 : memref<!tpu.dma_semaphore, #tpu.memory_space<semaphore_mem>>)
    %scan3A = arith.constant 0 : i32
    %scan3A_105 = arith.constant 20 : i32
    %scan3A_106 = arith.addi %scan3A, %scan3A_105 : i32
    %scan3A_107 = arith.constant 1 : i32
    scf.for %scan3A_154 = %scan3A to %scan3A_106 step %scan3A_107  : i32 {
      %mul3A_155 = arith.constant 4 : i32
      %mul3A_156 = arith.muli %scan3A_154, %mul3A_155 : i32
      %add3A_157 = arith.constant 0 : i32
      %add3A_158 = arith.addi %add3A_157, %mul3A_156 : i32
      %dma_wait3A_159 = arith.constant 2 : i32
      %dma_wait3A_160 = arith.constant 0 : i32
      %dma_wait3A_161 = tpu.memref_slice %arg7[%dma_wait3A_159, %dma_wait3A_160] : memref<12x128xi32, #tpu.memory_space<vmem>> -> memref<1x128xi32, #tpu.memory_space<vmem>>
      %dma_wait3A_162 = tpu.memref_squeeze %dma_wait3A_161 : memref<1x128xi32, #tpu.memory_space<vmem>> -> memref<128xi32, #tpu.memory_space<vmem>>
      %dma_wait3A_163 = arith.constant 0 : i32
      %dma_wait3A_164 = arith.constant 0 : i32
      %dma_wait3A_165 = tpu.memref_slice %arg2[%dma_wait3A_163, %dma_wait3A_164] : memref<10000x128xf32, #tpu.memory_space<hbm>> -> memref<10000x128xf32, #tpu.memory_space<hbm>>
      tpu.wait_indirect_dma semaphore(%arg10 : memref<!tpu.dma_semaphore, #tpu.memory_space<semaphore_mem>>) src(%dma_wait3A_165 : memref<10000x128xf32, #tpu.memory_space<hbm>>) dst(%arg8 : memref<128x128xf32, #tpu.memory_space<vmem>>)
      %broadcast_in_dim3A = arith.constant 1 : i32
      %broadcast_in_dim3A_166 = vector.broadcast %broadcast_in_dim3A : i32 to vector<16xi32>
      %scan3A_167 = arith.constant 0 : i32
      %scan3A_168 = arith.constant 128 : i32
      %scan3A_169 = arith.addi %scan3A_167, %scan3A_168 : i32
      %scan3A_170 = arith.constant 1 : i32
      scf.for %scan3A_376 = %scan3A_167 to %scan3A_169 step %scan3A_170  : i32 {
        %mul3A_377 = arith.constant 1 : i32
        %mul3A_378 = arith.muli %scan3A_376, %mul3A_377 : i32
        %add3A_379 = arith.constant 0 : i32
        %add3A_380 = arith.addi %add3A_379, %mul3A_378 : i32
        %broadcast_in_dim3A_381 = vector.broadcast %add3A_380 : i32 to vector<16xi32>
        %gather3A = tpu.vector_load_idx %arg7[%broadcast_in_dim3A_166, %broadcast_in_dim3A_381] : memref<12x128xi32, #tpu.memory_space<vmem>>[vector<16xi32>, vector<16xi32>], vector<16xi32>,
        %bitcast3A = vector.bitcast %gather3A : vector<16xi32> to vector<16xf32>
        %get3A = arith.index_cast %add3A_380 : i32 to index
        %get3A_382 = arith.constant 0 : index
        %get3A_383 = tpu.vector_load %arg8[%get3A, %get3A_382] {strides = array<i32>} : memref<128x128xf32, #tpu.memory_space<vmem>>, vector<16xf32>,
        %mul3A_384 = arith.mulf %get3A_383, %bitcast3A : vector<16xf32>
        %swap3A = arith.index_cast %add3A_380 : i32 to index
        %swap3A_385 = arith.constant 0 : index
        %swap3A_386 = tpu.vector_load %arg8[%swap3A, %swap3A_385] {strides = array<i32>} : memref<128x128xf32, #tpu.memory_space<vmem>>, vector<16xf32>,
        tpu.vector_store %arg8[%swap3A, %swap3A_385], %mul3A_384 {strides = array<i32>} : memref<128x128xf32, #tpu.memory_space<vmem>>, vector<16xf32>,
        %get3A_387 = arith.index_cast %add3A_380 : i32 to index
        %get3A_388 = arith.constant 16 : index
        %get3A_389 = tpu.vector_load %arg8[%get3A_387, %get3A_388] {strides = array<i32>} : memref<128x128xf32, #tpu.memory_space<vmem>>, vector<16xf32>,
        %mul3A_390 = arith.mulf %get3A_389, %bitcast3A : vector<16xf32>
        %swap3A_391 = arith.index_cast %add3A_380 : i32 to index
        %swap3A_392 = arith.constant 16 : index
        %swap3A_393 = tpu.vector_load %arg8[%swap3A_391, %swap3A_392] {strides = array<i32>} : memref<128x128xf32, #tpu.memory_space<vmem>>, vector<16xf32>,
        tpu.vector_store %arg8[%swap3A_391, %swap3A_392], %mul3A_390 {strides = array<i32>} : memref<128x128xf32, #tpu.memory_space<vmem>>, vector<16xf32>,
        %get3A_394 = arith.index_cast %add3A_380 : i32 to index
        %get3A_395 = arith.constant 32 : index
        %get3A_396 = tpu.vector_load %arg8[%get3A_394, %get3A_395] {strides = array<i32>} : memref<128x128xf32, #tpu.memory_space<vmem>>, vector<16xf32>,
        %mul3A_397 = arith.mulf %get3A_396, %bitcast3A : vector<16xf32>
        %swap3A_398 = arith.index_cast %add3A_380 : i32 to index
        %swap3A_399 = arith.constant 32 : index
        %swap3A_400 = tpu.vector_load %arg8[%swap3A_398, %swap3A_399] {strides = array<i32>} : memref<128x128xf32, #tpu.memory_space<vmem>>, vector<16xf32>,
        tpu.vector_store %arg8[%swap3A_398, %swap3A_399], %mul3A_397 {strides = array<i32>} : memref<128x128xf32, #tpu.memory_space<vmem>>, vector<16xf32>,
        %get3A_401 = arith.index_cast %add3A_380 : i32 to index
        %get3A_402 = arith.constant 48 : index
        %get3A_403 = tpu.vector_load %arg8[%get3A_401, %get3A_402] {strides = array<i32>} : memref<128x128xf32, #tpu.memory_space<vmem>>, vector<16xf32>,
        %mul3A_404 = arith.mulf %get3A_403, %bitcast3A : vector<16xf32>
        %swap3A_405 = arith.index_cast %add3A_380 : i32 to index
        %swap3A_406 = arith.constant 48 : index
        %swap3A_407 = tpu.vector_load %arg8[%swap3A_405, %swap3A_406] {strides = array<i32>} : memref<128x128xf32, #tpu.memory_space<vmem>>, vector<16xf32>,
        tpu.vector_store %arg8[%swap3A_405, %swap3A_406], %mul3A_404 {strides = array<i32>} : memref<128x128xf32, #tpu.memory_space<vmem>>, vector<16xf32>,
        %get3A_408 = arith.index_cast %add3A_380 : i32 to index
        %get3A_409 = arith.constant 64 : index
        %get3A_410 = tpu.vector_load %arg8[%get3A_408, %get3A_409] {strides = array<i32>} : memref<128x128xf32, #tpu.memory_space<vmem>>, vector<16xf32>,
        %mul3A_411 = arith.mulf %get3A_410, %bitcast3A : vector<16xf32>
        %swap3A_412 = arith.index_cast %add3A_380 : i32 to index
        %swap3A_413 = arith.constant 64 : index
        %swap3A_414 = tpu.vector_load %arg8[%swap3A_412, %swap3A_413] {strides = array<i32>} : memref<128x128xf32, #tpu.memory_space<vmem>>, vector<16xf32>,
        tpu.vector_store %arg8[%swap3A_412, %swap3A_413], %mul3A_411 {strides = array<i32>} : memref<128x128xf32, #tpu.memory_space<vmem>>, vector<16xf32>,
        %get3A_415 = arith.index_cast %add3A_380 : i32 to index
        %get3A_416 = arith.constant 80 : index
        %get3A_417 = tpu.vector_load %arg8[%get3A_415, %get3A_416] {strides = array<i32>} : memref<128x128xf32, #tpu.memory_space<vmem>>, vector<16xf32>,
        %mul3A_418 = arith.mulf %get3A_417, %bitcast3A : vector<16xf32>
        %swap3A_419 = arith.index_cast %add3A_380 : i32 to index
        %swap3A_420 = arith.constant 80 : index
        %swap3A_421 = tpu.vector_load %arg8[%swap3A_419, %swap3A_420] {strides = array<i32>} : memref<128x128xf32, #tpu.memory_space<vmem>>, vector<16xf32>,
        tpu.vector_store %arg8[%swap3A_419, %swap3A_420], %mul3A_418 {strides = array<i32>} : memref<128x128xf32, #tpu.memory_space<vmem>>, vector<16xf32>,
        %get3A_422 = arith.index_cast %add3A_380 : i32 to index
        %get3A_423 = arith.constant 96 : index
        %get3A_424 = tpu.vector_load %arg8[%get3A_422, %get3A_423] {strides = array<i32>} : memref<128x128xf32, #tpu.memory_space<vmem>>, vector<16xf32>,
        %mul3A_425 = arith.mulf %get3A_424, %bitcast3A : vector<16xf32>
        %swap3A_426 = arith.index_cast %add3A_380 : i32 to index
        %swap3A_427 = arith.constant 96 : index
        %swap3A_428 = tpu.vector_load %arg8[%swap3A_426, %swap3A_427] {strides = array<i32>} : memref<128x128xf32, #tpu.memory_space<vmem>>, vector<16xf32>,
        tpu.vector_store %arg8[%swap3A_426, %swap3A_427], %mul3A_425 {strides = array<i32>} : memref<128x128xf32, #tpu.memory_space<vmem>>, vector<16xf32>,
        %get3A_429 = arith.index_cast %add3A_380 : i32 to index
        %get3A_430 = arith.constant 112 : index
        %get3A_431 = tpu.vector_load %arg8[%get3A_429, %get3A_430] {strides = array<i32>} : memref<128x128xf32, #tpu.memory_space<vmem>>, vector<16xf32>,
        %mul3A_432 = arith.mulf %get3A_431, %bitcast3A : vector<16xf32>
        %swap3A_433 = arith.index_cast %add3A_380 : i32 to index
        %swap3A_434 = arith.constant 112 : index
        %swap3A_435 = tpu.vector_load %arg8[%swap3A_433, %swap3A_434] {strides = array<i32>} : memref<128x128xf32, #tpu.memory_space<vmem>>, vector<16xf32>,
        tpu.vector_store %arg8[%swap3A_433, %swap3A_434], %mul3A_432 {strides = array<i32>} : memref<128x128xf32, #tpu.memory_space<vmem>>, vector<16xf32>,
      }
      %scan3A_171 = arith.constant 128 : i32
      %run_scoped3A = arith.constant 0 : i32
      "tpu.region"() ({
        %run_scoped3A_376 = tpu.sem_alloc : memref<!tpu.dma_semaphore, #tpu.memory_space<semaphore_mem>>
        %dma_start3A_377 = arith.constant 0 : i32
        %dma_start3A_378 = tpu.memref_slice %arg7[%run_scoped3A, %dma_start3A_377] : memref<12x128xi32, #tpu.memory_space<vmem>> -> memref<1x128xi32, #tpu.memory_space<vmem>>
        %dma_start3A_379 = tpu.memref_squeeze %dma_start3A_378 : memref<1x128xi32, #tpu.memory_space<vmem>> -> memref<128xi32, #tpu.memory_space<vmem>>
        %dma_start3A_380 = arith.constant 0 : i32
        %dma_start3A_381 = arith.constant 0 : i32
        %dma_start3A_382 = tpu.memref_slice %arg6[%dma_start3A_380, %dma_start3A_381] : memref<10112x128xf32, #tpu.memory_space<vmem_shared>> -> memref<10112x128xf32, #tpu.memory_space<vmem_shared>>
        tpu.enqueue_indirect_dma source(%arg8 : memref<128x128xf32, #tpu.memory_space<vmem>>) target(%dma_start3A_382 : memref<10112x128xf32, #tpu.memory_space<vmem_shared>>) offsets(%dma_start3A_379 : memref<128xi32, #tpu.memory_space<vmem>>) semaphore(%run_scoped3A_376 : memref<!tpu.dma_semaphore, #tpu.memory_space<semaphore_mem>>) {add = true}
        %dma_wait3A_383 = arith.constant 0 : i32
        %dma_wait3A_384 = tpu.memref_slice %arg7[%run_scoped3A, %dma_wait3A_383] : memref<12x128xi32, #tpu.memory_space<vmem>> -> memref<1x128xi32, #tpu.memory_space<vmem>>
        %dma_wait3A_385 = tpu.memref_squeeze %dma_wait3A_384 : memref<1x128xi32, #tpu.memory_space<vmem>> -> memref<128xi32, #tpu.memory_space<vmem>>
        %dma_wait3A_386 = arith.constant 0 : i32
        %dma_wait3A_387 = arith.constant 0 : i32
        %dma_wait3A_388 = tpu.memref_slice %arg6[%dma_wait3A_386, %dma_wait3A_387] : memref<10112x128xf32, #tpu.memory_space<vmem_shared>> -> memref<10112x128xf32, #tpu.memory_space<vmem_shared>>
        tpu.wait_indirect_dma semaphore(%run_scoped3A_376 : memref<!tpu.dma_semaphore, #tpu.memory_space<semaphore_mem>>) src(%arg8 : memref<128x128xf32, #tpu.memory_space<vmem>>) dst(%dma_wait3A_388 : memref<10112x128xf32, #tpu.memory_space<vmem_shared>>)
        tpu.yield
      }) : () -> ()
      %add3A_172 = arith.constant 4 : i32
      %add3A_173 = arith.addi %add3A_158, %add3A_172 : i32
      %min3A = arith.constant 79 : i32
      %min3A_174 = arith.minsi %add3A_173, %min3A : i32
      %dma_start3A_175 = arith.constant 0 : i32
      %dma_start3A_176 = arith.constant 0 : i32
      %dma_start3A_177 = tpu.memref_slice %arg7[%dma_start3A_175, %dma_start3A_176] : memref<12x128xi32, #tpu.memory_space<vmem>> -> memref<3x128xi32, #tpu.memory_space<vmem>>
      %dma_start3A_178 = arith.constant 0 : i32
      %dma_start3A_179 = arith.constant 0 : i32
      %dma_start3A_180 = tpu.memref_slice %arg3[%add3A, %min3A_174, %dma_start3A_178, %dma_start3A_179] : memref<32x80x3x128xi32, #tpu.memory_space<hbm>> -> memref<1x1x3x128xi32, #tpu.memory_space<hbm>>
      %dma_start3A_181 = tpu.memref_squeeze %dma_start3A_180 : memref<1x1x3x128xi32, #tpu.memory_space<hbm>> -> memref<3x128xi32, #tpu.memory_space<hbm>>
      %dma_start3A_182 = arith.constant 0 : i32
      %dma_start3A_183 = arith.constant 0 : i32
      %dma_start3A_184 = tpu.memref_slice %arg7[%dma_start3A_182, %dma_start3A_183] : memref<12x128xi32, #tpu.memory_space<vmem>> -> memref<3x128xi32, #tpu.memory_space<vmem>>
      %dma_start3A_185 = arith.constant 0 : i32
      %dma_start3A_186 = arith.constant 0 : i32
      %dma_start3A_187 = tpu.memref_slice %arg3[%add3A, %min3A_174, %dma_start3A_185, %dma_start3A_186] : memref<32x80x3x128xi32, #tpu.memory_space<hbm>> -> memref<1x1x3x128xi32, #tpu.memory_space<hbm>>
      %dma_start3A_188 = tpu.memref_squeeze %dma_start3A_187 : memref<1x1x3x128xi32, #tpu.memory_space<hbm>> -> memref<3x128xi32, #tpu.memory_space<hbm>>
      tpu.enqueue_dma source(%dma_start3A_188 : memref<3x128xi32, #tpu.memory_space<hbm>>) target(%dma_start3A_184 : memref<3x128xi32, #tpu.memory_space<vmem>>) target_semaphore(%arg12 : memref<!tpu.dma_semaphore, #tpu.memory_space<semaphore_mem>>)
      %dma_wait3A_189 = arith.constant 0 : i32
      %dma_wait3A_190 = arith.constant 6 : i32
      %dma_wait3A_191 = arith.constant 0 : i32
      %dma_wait3A_192 = tpu.memref_slice %arg7[%dma_wait3A_190, %dma_wait3A_191] : memref<12x128xi32, #tpu.memory_space<vmem>> -> memref<3x128xi32, #tpu.memory_space<vmem>>
      %dma_wait3A_193 = arith.constant 0 : i32
      %dma_wait3A_194 = arith.constant 0 : i32
      %dma_wait3A_195 = tpu.memref_slice %arg3[%add3A, %dma_wait3A_189, %dma_wait3A_193, %dma_wait3A_194] : memref<32x80x3x128xi32, #tpu.memory_space<hbm>> -> memref<1x1x3x128xi32, #tpu.memory_space<hbm>>
      %dma_wait3A_196 = tpu.memref_squeeze %dma_wait3A_195 : memref<1x1x3x128xi32, #tpu.memory_space<hbm>> -> memref<3x128xi32, #tpu.memory_space<hbm>>
      %dma_wait3A_197 = arith.constant 6 : i32
      %dma_wait3A_198 = arith.constant 0 : i32
      %dma_wait3A_199 = tpu.memref_slice %arg7[%dma_wait3A_197, %dma_wait3A_198] : memref<12x128xi32, #tpu.memory_space<vmem>> -> memref<3x128xi32, #tpu.memory_space<vmem>>
      %dma_wait3A_200 = arith.constant 0 : i32
      %dma_wait3A_201 = arith.constant 0 : i32
      %dma_wait3A_202 = tpu.memref_slice %arg3[%add3A, %dma_wait3A_189, %dma_wait3A_200, %dma_wait3A_201] : memref<32x80x3x128xi32, #tpu.memory_space<hbm>> -> memref<1x1x3x128xi32, #tpu.memory_space<hbm>>
      %dma_wait3A_203 = tpu.memref_squeeze %dma_wait3A_202 : memref<1x1x3x128xi32, #tpu.memory_space<hbm>> -> memref<3x128xi32, #tpu.memory_space<hbm>>
      tpu.wait_dma2 semaphore(%arg14 : memref<!tpu.dma_semaphore, #tpu.memory_space<semaphore_mem>>) src(%dma_wait3A_203 : memref<3x128xi32, #tpu.memory_space<hbm>>) dst(%dma_wait3A_199 : memref<3x128xi32, #tpu.memory_space<vmem>>)
      %dma_start3A_204 = arith.constant 8 : i32
      %dma_start3A_205 = arith.constant 0 : i32
      %dma_start3A_206 = tpu.memref_slice %arg7[%dma_start3A_204, %dma_start3A_205] : memref<12x128xi32, #tpu.memory_space<vmem>> -> memref<1x128xi32, #tpu.memory_space<vmem>>
      %dma_start3A_207 = tpu.memref_squeeze %dma_start3A_206 : memref<1x128xi32, #tpu.memory_space<vmem>> -> memref<128xi32, #tpu.memory_space<vmem>>
      %dma_start3A_208 = arith.constant 0 : i32
      %dma_start3A_209 = arith.constant 0 : i32
      %dma_start3A_210 = tpu.memref_slice %arg2[%dma_start3A_208, %dma_start3A_209] : memref<10000x128xf32, #tpu.memory_space<hbm>> -> memref<10000x128xf32, #tpu.memory_space<hbm>>
      tpu.enqueue_indirect_dma source(%dma_start3A_210 : memref<10000x128xf32, #tpu.memory_space<hbm>>) target(%arg8 : memref<128x128xf32, #tpu.memory_space<vmem>>) offsets(%dma_start3A_207 : memref<128xi32, #tpu.memory_space<vmem>>) semaphore(%arg10 : memref<!tpu.dma_semaphore, #tpu.memory_space<semaphore_mem>>)
      %dma_wait3A_211 = arith.constant 2 : i32
      %dma_wait3A_212 = arith.constant 0 : i32
      %dma_wait3A_213 = tpu.memref_slice %arg7[%dma_wait3A_211, %dma_wait3A_212] : memref<12x128xi32, #tpu.memory_space<vmem>> -> memref<1x128xi32, #tpu.memory_space<vmem>>
      %dma_wait3A_214 = tpu.memref_squeeze %dma_wait3A_213 : memref<1x128xi32, #tpu.memory_space<vmem>> -> memref<128xi32, #tpu.memory_space<vmem>>
      %dma_wait3A_215 = arith.constant 0 : i32
      %dma_wait3A_216 = arith.constant 0 : i32
      %dma_wait3A_217 = tpu.memref_slice %arg2[%dma_wait3A_215, %dma_wait3A_216] : memref<10000x128xf32, #tpu.memory_space<hbm>> -> memref<10000x128xf32, #tpu.memory_space<hbm>>
      tpu.wait_indirect_dma semaphore(%arg11 : memref<!tpu.dma_semaphore, #tpu.memory_space<semaphore_mem>>) src(%dma_wait3A_217 : memref<10000x128xf32, #tpu.memory_space<hbm>>) dst(%arg9 : memref<128x128xf32, #tpu.memory_space<vmem>>)
      %broadcast_in_dim3A_218 = arith.constant 4 : i32
      %broadcast_in_dim3A_219 = vector.broadcast %broadcast_in_dim3A_218 : i32 to vector<16xi32>
      %scan3A_220 = arith.constant 0 : i32
      %scan3A_221 = arith.constant 128 : i32
      %scan3A_222 = arith.addi %scan3A_220, %scan3A_221 : i32
      %scan3A_223 = arith.constant 1 : i32
      scf.for %scan3A_376 = %scan3A_220 to %scan3A_222 step %scan3A_223  : i32 {
        %mul3A_377 = arith.constant 1 : i32
        %mul3A_378 = arith.muli %scan3A_376, %mul3A_377 : i32
        %add3A_379 = arith.constant 0 : i32
        %add3A_380 = arith.addi %add3A_379, %mul3A_378 : i32
        %broadcast_in_dim3A_381 = vector.broadcast %add3A_380 : i32 to vector<16xi32>
        %gather3A = tpu.vector_load_idx %arg7[%broadcast_in_dim3A_219, %broadcast_in_dim3A_381] : memref<12x128xi32, #tpu.memory_space<vmem>>[vector<16xi32>, vector<16xi32>], vector<16xi32>,
        %bitcast3A = vector.bitcast %gather3A : vector<16xi32> to vector<16xf32>
        %get3A = arith.index_cast %add3A_380 : i32 to index
        %get3A_382 = arith.constant 0 : index
        %get3A_383 = tpu.vector_load %arg9[%get3A, %get3A_382] {strides = array<i32>} : memref<128x128xf32, #tpu.memory_space<vmem>>, vector<16xf32>,
        %mul3A_384 = arith.mulf %get3A_383, %bitcast3A : vector<16xf32>
        %swap3A = arith.index_cast %add3A_380 : i32 to index
        %swap3A_385 = arith.constant 0 : index
        %swap3A_386 = tpu.vector_load %arg9[%swap3A, %swap3A_385] {strides = array<i32>} : memref<128x128xf32, #tpu.memory_space<vmem>>, vector<16xf32>,
        tpu.vector_store %arg9[%swap3A, %swap3A_385], %mul3A_384 {strides = array<i32>} : memref<128x128xf32, #tpu.memory_space<vmem>>, vector<16xf32>,
        %get3A_387 = arith.index_cast %add3A_380 : i32 to index
        %get3A_388 = arith.constant 16 : index
        %get3A_389 = tpu.vector_load %arg9[%get3A_387, %get3A_388] {strides = array<i32>} : memref<128x128xf32, #tpu.memory_space<vmem>>, vector<16xf32>,
        %mul3A_390 = arith.mulf %get3A_389, %bitcast3A : vector<16xf32>
        %swap3A_391 = arith.index_cast %add3A_380 : i32 to index
        %swap3A_392 = arith.constant 16 : index
        %swap3A_393 = tpu.vector_load %arg9[%swap3A_391, %swap3A_392] {strides = array<i32>} : memref<128x128xf32, #tpu.memory_space<vmem>>, vector<16xf32>,
        tpu.vector_store %arg9[%swap3A_391, %swap3A_392], %mul3A_390 {strides = array<i32>} : memref<128x128xf32, #tpu.memory_space<vmem>>, vector<16xf32>,
        %get3A_394 = arith.index_cast %add3A_380 : i32 to index
        %get3A_395 = arith.constant 32 : index
        %get3A_396 = tpu.vector_load %arg9[%get3A_394, %get3A_395] {strides = array<i32>} : memref<128x128xf32, #tpu.memory_space<vmem>>, vector<16xf32>,
        %mul3A_397 = arith.mulf %get3A_396, %bitcast3A : vector<16xf32>
        %swap3A_398 = arith.index_cast %add3A_380 : i32 to index
        %swap3A_399 = arith.constant 32 : index
        %swap3A_400 = tpu.vector_load %arg9[%swap3A_398, %swap3A_399] {strides = array<i32>} : memref<128x128xf32, #tpu.memory_space<vmem>>, vector<16xf32>,
        tpu.vector_store %arg9[%swap3A_398, %swap3A_399], %mul3A_397 {strides = array<i32>} : memref<128x128xf32, #tpu.memory_space<vmem>>, vector<16xf32>,
        %get3A_401 = arith.index_cast %add3A_380 : i32 to index
        %get3A_402 = arith.constant 48 : index
        %get3A_403 = tpu.vector_load %arg9[%get3A_401, %get3A_402] {strides = array<i32>} : memref<128x128xf32, #tpu.memory_space<vmem>>, vector<16xf32>,
        %mul3A_404 = arith.mulf %get3A_403, %bitcast3A : vector<16xf32>
        %swap3A_405 = arith.index_cast %add3A_380 : i32 to index
        %swap3A_406 = arith.constant 48 : index
        %swap3A_407 = tpu.vector_load %arg9[%swap3A_405, %swap3A_406] {strides = array<i32>} : memref<128x128xf32, #tpu.memory_space<vmem>>, vector<16xf32>,
        tpu.vector_store %arg9[%swap3A_405, %swap3A_406], %mul3A_404 {strides = array<i32>} : memref<128x128xf32, #tpu.memory_space<vmem>>, vector<16xf32>,
        %get3A_408 = arith.index_cast %add3A_380 : i32 to index
        %get3A_409 = arith.constant 64 : index
        %get3A_410 = tpu.vector_load %arg9[%get3A_408, %get3A_409] {strides = array<i32>} : memref<128x128xf32, #tpu.memory_space<vmem>>, vector<16xf32>,
        %mul3A_411 = arith.mulf %get3A_410, %bitcast3A : vector<16xf32>
        %swap3A_412 = arith.index_cast %add3A_380 : i32 to index
        %swap3A_413 = arith.constant 64 : index
        %swap3A_414 = tpu.vector_load %arg9[%swap3A_412, %swap3A_413] {strides = array<i32>} : memref<128x128xf32, #tpu.memory_space<vmem>>, vector<16xf32>,
        tpu.vector_store %arg9[%swap3A_412, %swap3A_413], %mul3A_411 {strides = array<i32>} : memref<128x128xf32, #tpu.memory_space<vmem>>, vector<16xf32>,
        %get3A_415 = arith.index_cast %add3A_380 : i32 to index
        %get3A_416 = arith.constant 80 : index
        %get3A_417 = tpu.vector_load %arg9[%get3A_415, %get3A_416] {strides = array<i32>} : memref<128x128xf32, #tpu.memory_space<vmem>>, vector<16xf32>,
        %mul3A_418 = arith.mulf %get3A_417, %bitcast3A : vector<16xf32>
        %swap3A_419 = arith.index_cast %add3A_380 : i32 to index
        %swap3A_420 = arith.constant 80 : index
        %swap3A_421 = tpu.vector_load %arg9[%swap3A_419, %swap3A_420] {strides = array<i32>} : memref<128x128xf32, #tpu.memory_space<vmem>>, vector<16xf32>,
        tpu.vector_store %arg9[%swap3A_419, %swap3A_420], %mul3A_418 {strides = array<i32>} : memref<128x128xf32, #tpu.memory_space<vmem>>, vector<16xf32>,
        %get3A_422 = arith.index_cast %add3A_380 : i32 to index
        %get3A_423 = arith.constant 96 : index
        %get3A_424 = tpu.vector_load %arg9[%get3A_422, %get3A_423] {strides = array<i32>} : memref<128x128xf32, #tpu.memory_space<vmem>>, vector<16xf32>,
        %mul3A_425 = arith.mulf %get3A_424, %bitcast3A : vector<16xf32>
        %swap3A_426 = arith.index_cast %add3A_380 : i32 to index
        %swap3A_427 = arith.constant 96 : index
        %swap3A_428 = tpu.vector_load %arg9[%swap3A_426, %swap3A_427] {strides = array<i32>} : memref<128x128xf32, #tpu.memory_space<vmem>>, vector<16xf32>,
        tpu.vector_store %arg9[%swap3A_426, %swap3A_427], %mul3A_425 {strides = array<i32>} : memref<128x128xf32, #tpu.memory_space<vmem>>, vector<16xf32>,
        %get3A_429 = arith.index_cast %add3A_380 : i32 to index
        %get3A_430 = arith.constant 112 : index
        %get3A_431 = tpu.vector_load %arg9[%get3A_429, %get3A_430] {strides = array<i32>} : memref<128x128xf32, #tpu.memory_space<vmem>>, vector<16xf32>,
        %mul3A_432 = arith.mulf %get3A_431, %bitcast3A : vector<16xf32>
        %swap3A_433 = arith.index_cast %add3A_380 : i32 to index
        %swap3A_434 = arith.constant 112 : index
        %swap3A_435 = tpu.vector_load %arg9[%swap3A_433, %swap3A_434] {strides = array<i32>} : memref<128x128xf32, #tpu.memory_space<vmem>>, vector<16xf32>,
        tpu.vector_store %arg9[%swap3A_433, %swap3A_434], %mul3A_432 {strides = array<i32>} : memref<128x128xf32, #tpu.memory_space<vmem>>, vector<16xf32>,
      }
      %scan3A_224 = arith.constant 128 : i32
      %run_scoped3A_225 = arith.constant 3 : i32
      "tpu.region"() ({
        %run_scoped3A_376 = tpu.sem_alloc : memref<!tpu.dma_semaphore, #tpu.memory_space<semaphore_mem>>
        %dma_start3A_377 = arith.constant 0 : i32
        %dma_start3A_378 = tpu.memref_slice %arg7[%run_scoped3A_225, %dma_start3A_377] : memref<12x128xi32, #tpu.memory_space<vmem>> -> memref<1x128xi32, #tpu.memory_space<vmem>>
        %dma_start3A_379 = tpu.memref_squeeze %dma_start3A_378 : memref<1x128xi32, #tpu.memory_space<vmem>> -> memref<128xi32, #tpu.memory_space<vmem>>
        %dma_start3A_380 = arith.constant 0 : i32
        %dma_start3A_381 = arith.constant 0 : i32
        %dma_start3A_382 = tpu.memref_slice %arg6[%dma_start3A_380, %dma_start3A_381] : memref<10112x128xf32, #tpu.memory_space<vmem_shared>> -> memref<10112x128xf32, #tpu.memory_space<vmem_shared>>
        tpu.enqueue_indirect_dma source(%arg9 : memref<128x128xf32, #tpu.memory_space<vmem>>) target(%dma_start3A_382 : memref<10112x128xf32, #tpu.memory_space<vmem_shared>>) offsets(%dma_start3A_379 : memref<128xi32, #tpu.memory_space<vmem>>) semaphore(%run_scoped3A_376 : memref<!tpu.dma_semaphore, #tpu.memory_space<semaphore_mem>>) {add = true}
        %dma_wait3A_383 = arith.constant 0 : i32
        %dma_wait3A_384 = tpu.memref_slice %arg7[%run_scoped3A_225, %dma_wait3A_383] : memref<12x128xi32, #tpu.memory_space<vmem>> -> memref<1x128xi32, #tpu.memory_space<vmem>>
        %dma_wait3A_385 = tpu.memref_squeeze %dma_wait3A_384 : memref<1x128xi32, #tpu.memory_space<vmem>> -> memref<128xi32, #tpu.memory_space<vmem>>
        %dma_wait3A_386 = arith.constant 0 : i32
        %dma_wait3A_387 = arith.constant 0 : i32
        %dma_wait3A_388 = tpu.memref_slice %arg6[%dma_wait3A_386, %dma_wait3A_387] : memref<10112x128xf32, #tpu.memory_space<vmem_shared>> -> memref<10112x128xf32, #tpu.memory_space<vmem_shared>>
        tpu.wait_indirect_dma semaphore(%run_scoped3A_376 : memref<!tpu.dma_semaphore, #tpu.memory_space<semaphore_mem>>) src(%arg9 : memref<128x128xf32, #tpu.memory_space<vmem>>) dst(%dma_wait3A_388 : memref<10112x128xf32, #tpu.memory_space<vmem_shared>>)
        tpu.yield
      }) : () -> ()
      %add3A_226 = arith.constant 5 : i32
      %add3A_227 = arith.addi %add3A_158, %add3A_226 : i32
      %min3A_228 = arith.constant 79 : i32
      %min3A_229 = arith.minsi %add3A_227, %min3A_228 : i32
      %dma_start3A_230 = arith.constant 3 : i32
      %dma_start3A_231 = arith.constant 0 : i32
      %dma_start3A_232 = tpu.memref_slice %arg7[%dma_start3A_230, %dma_start3A_231] : memref<12x128xi32, #tpu.memory_space<vmem>> -> memref<3x128xi32, #tpu.memory_space<vmem>>
      %dma_start3A_233 = arith.constant 0 : i32
      %dma_start3A_234 = arith.constant 0 : i32
      %dma_start3A_235 = tpu.memref_slice %arg3[%add3A, %min3A_229, %dma_start3A_233, %dma_start3A_234] : memref<32x80x3x128xi32, #tpu.memory_space<hbm>> -> memref<1x1x3x128xi32, #tpu.memory_space<hbm>>
      %dma_start3A_236 = tpu.memref_squeeze %dma_start3A_235 : memref<1x1x3x128xi32, #tpu.memory_space<hbm>> -> memref<3x128xi32, #tpu.memory_space<hbm>>
      %dma_start3A_237 = arith.constant 3 : i32
      %dma_start3A_238 = arith.constant 0 : i32
      %dma_start3A_239 = tpu.memref_slice %arg7[%dma_start3A_237, %dma_start3A_238] : memref<12x128xi32, #tpu.memory_space<vmem>> -> memref<3x128xi32, #tpu.memory_space<vmem>>
      %dma_start3A_240 = arith.constant 0 : i32
      %dma_start3A_241 = arith.constant 0 : i32
      %dma_start3A_242 = tpu.memref_slice %arg3[%add3A, %min3A_229, %dma_start3A_240, %dma_start3A_241] : memref<32x80x3x128xi32, #tpu.memory_space<hbm>> -> memref<1x1x3x128xi32, #tpu.memory_space<hbm>>
      %dma_start3A_243 = tpu.memref_squeeze %dma_start3A_242 : memref<1x1x3x128xi32, #tpu.memory_space<hbm>> -> memref<3x128xi32, #tpu.memory_space<hbm>>
      tpu.enqueue_dma source(%dma_start3A_243 : memref<3x128xi32, #tpu.memory_space<hbm>>) target(%dma_start3A_239 : memref<3x128xi32, #tpu.memory_space<vmem>>) target_semaphore(%arg13 : memref<!tpu.dma_semaphore, #tpu.memory_space<semaphore_mem>>)
      %dma_wait3A_244 = arith.constant 0 : i32
      %dma_wait3A_245 = arith.constant 9 : i32
      %dma_wait3A_246 = arith.constant 0 : i32
      %dma_wait3A_247 = tpu.memref_slice %arg7[%dma_wait3A_245, %dma_wait3A_246] : memref<12x128xi32, #tpu.memory_space<vmem>> -> memref<3x128xi32, #tpu.memory_space<vmem>>
      %dma_wait3A_248 = arith.constant 0 : i32
      %dma_wait3A_249 = arith.constant 0 : i32
      %dma_wait3A_250 = tpu.memref_slice %arg3[%add3A, %dma_wait3A_244, %dma_wait3A_248, %dma_wait3A_249] : memref<32x80x3x128xi32, #tpu.memory_space<hbm>> -> memref<1x1x3x128xi32, #tpu.memory_space<hbm>>
      %dma_wait3A_251 = tpu.memref_squeeze %dma_wait3A_250 : memref<1x1x3x128xi32, #tpu.memory_space<hbm>> -> memref<3x128xi32, #tpu.memory_space<hbm>>
      %dma_wait3A_252 = arith.constant 9 : i32
      %dma_wait3A_253 = arith.constant 0 : i32
      %dma_wait3A_254 = tpu.memref_slice %arg7[%dma_wait3A_252, %dma_wait3A_253] : memref<12x128xi32, #tpu.memory_space<vmem>> -> memref<3x128xi32, #tpu.memory_space<vmem>>
      %dma_wait3A_255 = arith.constant 0 : i32
      %dma_wait3A_256 = arith.constant 0 : i32
      %dma_wait3A_257 = tpu.memref_slice %arg3[%add3A, %dma_wait3A_244, %dma_wait3A_255, %dma_wait3A_256] : memref<32x80x3x128xi32, #tpu.memory_space<hbm>> -> memref<1x1x3x128xi32, #tpu.memory_space<hbm>>
      %dma_wait3A_258 = tpu.memref_squeeze %dma_wait3A_257 : memref<1x1x3x128xi32, #tpu.memory_space<hbm>> -> memref<3x128xi32, #tpu.memory_space<hbm>>
      tpu.wait_dma2 semaphore(%arg15 : memref<!tpu.dma_semaphore, #tpu.memory_space<semaphore_mem>>) src(%dma_wait3A_258 : memref<3x128xi32, #tpu.memory_space<hbm>>) dst(%dma_wait3A_254 : memref<3x128xi32, #tpu.memory_space<vmem>>)
      %dma_start3A_259 = arith.constant 11 : i32
      %dma_start3A_260 = arith.constant 0 : i32
      %dma_start3A_261 = tpu.memref_slice %arg7[%dma_start3A_259, %dma_start3A_260] : memref<12x128xi32, #tpu.memory_space<vmem>> -> memref<1x128xi32, #tpu.memory_space<vmem>>
      %dma_start3A_262 = tpu.memref_squeeze %dma_start3A_261 : memref<1x128xi32, #tpu.memory_space<vmem>> -> memref<128xi32, #tpu.memory_space<vmem>>
      %dma_start3A_263 = arith.constant 0 : i32
      %dma_start3A_264 = arith.constant 0 : i32
      %dma_start3A_265 = tpu.memref_slice %arg2[%dma_start3A_263, %dma_start3A_264] : memref<10000x128xf32, #tpu.memory_space<hbm>> -> memref<10000x128xf32, #tpu.memory_space<hbm>>
      tpu.enqueue_indirect_dma source(%dma_start3A_265 : memref<10000x128xf32, #tpu.memory_space<hbm>>) target(%arg9 : memref<128x128xf32, #tpu.memory_space<vmem>>) offsets(%dma_start3A_262 : memref<128xi32, #tpu.memory_space<vmem>>) semaphore(%arg11 : memref<!tpu.dma_semaphore, #tpu.memory_space<semaphore_mem>>)
      %dma_wait3A_266 = arith.constant 2 : i32
      %dma_wait3A_267 = arith.constant 0 : i32
      %dma_wait3A_268 = tpu.memref_slice %arg7[%dma_wait3A_266, %dma_wait3A_267] : memref<12x128xi32, #tpu.memory_space<vmem>> -> memref<1x128xi32, #tpu.memory_space<vmem>>
      %dma_wait3A_269 = tpu.memref_squeeze %dma_wait3A_268 : memref<1x128xi32, #tpu.memory_space<vmem>> -> memref<128xi32, #tpu.memory_space<vmem>>
      %dma_wait3A_270 = arith.constant 0 : i32
      %dma_wait3A_271 = arith.constant 0 : i32
      %dma_wait3A_272 = tpu.memref_slice %arg2[%dma_wait3A_270, %dma_wait3A_271] : memref<10000x128xf32, #tpu.memory_space<hbm>> -> memref<10000x128xf32, #tpu.memory_space<hbm>>
      tpu.wait_indirect_dma semaphore(%arg10 : memref<!tpu.dma_semaphore, #tpu.memory_space<semaphore_mem>>) src(%dma_wait3A_272 : memref<10000x128xf32, #tpu.memory_space<hbm>>) dst(%arg8 : memref<128x128xf32, #tpu.memory_space<vmem>>)
      %broadcast_in_dim3A_273 = arith.constant 7 : i32
      %broadcast_in_dim3A_274 = vector.broadcast %broadcast_in_dim3A_273 : i32 to vector<16xi32>
      %scan3A_275 = arith.constant 0 : i32
      %scan3A_276 = arith.constant 128 : i32
      %scan3A_277 = arith.addi %scan3A_275, %scan3A_276 : i32
      %scan3A_278 = arith.constant 1 : i32
      scf.for %scan3A_376 = %scan3A_275 to %scan3A_277 step %scan3A_278  : i32 {
        %mul3A_377 = arith.constant 1 : i32
        %mul3A_378 = arith.muli %scan3A_376, %mul3A_377 : i32
        %add3A_379 = arith.constant 0 : i32
        %add3A_380 = arith.addi %add3A_379, %mul3A_378 : i32
        %broadcast_in_dim3A_381 = vector.broadcast %add3A_380 : i32 to vector<16xi32>
        %gather3A = tpu.vector_load_idx %arg7[%broadcast_in_dim3A_274, %broadcast_in_dim3A_381] : memref<12x128xi32, #tpu.memory_space<vmem>>[vector<16xi32>, vector<16xi32>], vector<16xi32>,
        %bitcast3A = vector.bitcast %gather3A : vector<16xi32> to vector<16xf32>
        %get3A = arith.index_cast %add3A_380 : i32 to index
        %get3A_382 = arith.constant 0 : index
        %get3A_383 = tpu.vector_load %arg8[%get3A, %get3A_382] {strides = array<i32>} : memref<128x128xf32, #tpu.memory_space<vmem>>, vector<16xf32>,
        %mul3A_384 = arith.mulf %get3A_383, %bitcast3A : vector<16xf32>
        %swap3A = arith.index_cast %add3A_380 : i32 to index
        %swap3A_385 = arith.constant 0 : index
        %swap3A_386 = tpu.vector_load %arg8[%swap3A, %swap3A_385] {strides = array<i32>} : memref<128x128xf32, #tpu.memory_space<vmem>>, vector<16xf32>,
        tpu.vector_store %arg8[%swap3A, %swap3A_385], %mul3A_384 {strides = array<i32>} : memref<128x128xf32, #tpu.memory_space<vmem>>, vector<16xf32>,
        %get3A_387 = arith.index_cast %add3A_380 : i32 to index
        %get3A_388 = arith.constant 16 : index
        %get3A_389 = tpu.vector_load %arg8[%get3A_387, %get3A_388] {strides = array<i32>} : memref<128x128xf32, #tpu.memory_space<vmem>>, vector<16xf32>,
        %mul3A_390 = arith.mulf %get3A_389, %bitcast3A : vector<16xf32>
        %swap3A_391 = arith.index_cast %add3A_380 : i32 to index
        %swap3A_392 = arith.constant 16 : index
        %swap3A_393 = tpu.vector_load %arg8[%swap3A_391, %swap3A_392] {strides = array<i32>} : memref<128x128xf32, #tpu.memory_space<vmem>>, vector<16xf32>,
        tpu.vector_store %arg8[%swap3A_391, %swap3A_392], %mul3A_390 {strides = array<i32>} : memref<128x128xf32, #tpu.memory_space<vmem>>, vector<16xf32>,
        %get3A_394 = arith.index_cast %add3A_380 : i32 to index
        %get3A_395 = arith.constant 32 : index
        %get3A_396 = tpu.vector_load %arg8[%get3A_394, %get3A_395] {strides = array<i32>} : memref<128x128xf32, #tpu.memory_space<vmem>>, vector<16xf32>,
        %mul3A_397 = arith.mulf %get3A_396, %bitcast3A : vector<16xf32>
        %swap3A_398 = arith.index_cast %add3A_380 : i32 to index
        %swap3A_399 = arith.constant 32 : index
        %swap3A_400 = tpu.vector_load %arg8[%swap3A_398, %swap3A_399] {strides = array<i32>} : memref<128x128xf32, #tpu.memory_space<vmem>>, vector<16xf32>,
        tpu.vector_store %arg8[%swap3A_398, %swap3A_399], %mul3A_397 {strides = array<i32>} : memref<128x128xf32, #tpu.memory_space<vmem>>, vector<16xf32>,
        %get3A_401 = arith.index_cast %add3A_380 : i32 to index
        %get3A_402 = arith.constant 48 : index
        %get3A_403 = tpu.vector_load %arg8[%get3A_401, %get3A_402] {strides = array<i32>} : memref<128x128xf32, #tpu.memory_space<vmem>>, vector<16xf32>,
        %mul3A_404 = arith.mulf %get3A_403, %bitcast3A : vector<16xf32>
        %swap3A_405 = arith.index_cast %add3A_380 : i32 to index
        %swap3A_406 = arith.constant 48 : index
        %swap3A_407 = tpu.vector_load %arg8[%swap3A_405, %swap3A_406] {strides = array<i32>} : memref<128x128xf32, #tpu.memory_space<vmem>>, vector<16xf32>,
        tpu.vector_store %arg8[%swap3A_405, %swap3A_406], %mul3A_404 {strides = array<i32>} : memref<128x128xf32, #tpu.memory_space<vmem>>, vector<16xf32>,
        %get3A_408 = arith.index_cast %add3A_380 : i32 to index
        %get3A_409 = arith.constant 64 : index
        %get3A_410 = tpu.vector_load %arg8[%get3A_408, %get3A_409] {strides = array<i32>} : memref<128x128xf32, #tpu.memory_space<vmem>>, vector<16xf32>,
        %mul3A_411 = arith.mulf %get3A_410, %bitcast3A : vector<16xf32>
        %swap3A_412 = arith.index_cast %add3A_380 : i32 to index
        %swap3A_413 = arith.constant 64 : index
        %swap3A_414 = tpu.vector_load %arg8[%swap3A_412, %swap3A_413] {strides = array<i32>} : memref<128x128xf32, #tpu.memory_space<vmem>>, vector<16xf32>,
        tpu.vector_store %arg8[%swap3A_412, %swap3A_413], %mul3A_411 {strides = array<i32>} : memref<128x128xf32, #tpu.memory_space<vmem>>, vector<16xf32>,
        %get3A_415 = arith.index_cast %add3A_380 : i32 to index
        %get3A_416 = arith.constant 80 : index
        %get3A_417 = tpu.vector_load %arg8[%get3A_415, %get3A_416] {strides = array<i32>} : memref<128x128xf32, #tpu.memory_space<vmem>>, vector<16xf32>,
        %mul3A_418 = arith.mulf %get3A_417, %bitcast3A : vector<16xf32>
        %swap3A_419 = arith.index_cast %add3A_380 : i32 to index
        %swap3A_420 = arith.constant 80 : index
        %swap3A_421 = tpu.vector_load %arg8[%swap3A_419, %swap3A_420] {strides = array<i32>} : memref<128x128xf32, #tpu.memory_space<vmem>>, vector<16xf32>,
        tpu.vector_store %arg8[%swap3A_419, %swap3A_420], %mul3A_418 {strides = array<i32>} : memref<128x128xf32, #tpu.memory_space<vmem>>, vector<16xf32>,
        %get3A_422 = arith.index_cast %add3A_380 : i32 to index
        %get3A_423 = arith.constant 96 : index
        %get3A_424 = tpu.vector_load %arg8[%get3A_422, %get3A_423] {strides = array<i32>} : memref<128x128xf32, #tpu.memory_space<vmem>>, vector<16xf32>,
        %mul3A_425 = arith.mulf %get3A_424, %bitcast3A : vector<16xf32>
        %swap3A_426 = arith.index_cast %add3A_380 : i32 to index
        %swap3A_427 = arith.constant 96 : index
        %swap3A_428 = tpu.vector_load %arg8[%swap3A_426, %swap3A_427] {strides = array<i32>} : memref<128x128xf32, #tpu.memory_space<vmem>>, vector<16xf32>,
        tpu.vector_store %arg8[%swap3A_426, %swap3A_427], %mul3A_425 {strides = array<i32>} : memref<128x128xf32, #tpu.memory_space<vmem>>, vector<16xf32>,
        %get3A_429 = arith.index_cast %add3A_380 : i32 to index
        %get3A_430 = arith.constant 112 : index
        %get3A_431 = tpu.vector_load %arg8[%get3A_429, %get3A_430] {strides = array<i32>} : memref<128x128xf32, #tpu.memory_space<vmem>>, vector<16xf32>,
        %mul3A_432 = arith.mulf %get3A_431, %bitcast3A : vector<16xf32>
        %swap3A_433 = arith.index_cast %add3A_380 : i32 to index
        %swap3A_434 = arith.constant 112 : index
        %swap3A_435 = tpu.vector_load %arg8[%swap3A_433, %swap3A_434] {strides = array<i32>} : memref<128x128xf32, #tpu.memory_space<vmem>>, vector<16xf32>,
        tpu.vector_store %arg8[%swap3A_433, %swap3A_434], %mul3A_432 {strides = array<i32>} : memref<128x128xf32, #tpu.memory_space<vmem>>, vector<16xf32>,
      }
      %scan3A_279 = arith.constant 128 : i32
      %run_scoped3A_280 = arith.constant 6 : i32
      "tpu.region"() ({
        %run_scoped3A_376 = tpu.sem_alloc : memref<!tpu.dma_semaphore, #tpu.memory_space<semaphore_mem>>
        %dma_start3A_377 = arith.constant 0 : i32
        %dma_start3A_378 = tpu.memref_slice %arg7[%run_scoped3A_280, %dma_start3A_377] : memref<12x128xi32, #tpu.memory_space<vmem>> -> memref<1x128xi32, #tpu.memory_space<vmem>>
        %dma_start3A_379 = tpu.memref_squeeze %dma_start3A_378 : memref<1x128xi32, #tpu.memory_space<vmem>> -> memref<128xi32, #tpu.memory_space<vmem>>
        %dma_start3A_380 = arith.constant 0 : i32
        %dma_start3A_381 = arith.constant 0 : i32
        %dma_start3A_382 = tpu.memref_slice %arg6[%dma_start3A_380, %dma_start3A_381] : memref<10112x128xf32, #tpu.memory_space<vmem_shared>> -> memref<10112x128xf32, #tpu.memory_space<vmem_shared>>
        tpu.enqueue_indirect_dma source(%arg8 : memref<128x128xf32, #tpu.memory_space<vmem>>) target(%dma_start3A_382 : memref<10112x128xf32, #tpu.memory_space<vmem_shared>>) offsets(%dma_start3A_379 : memref<128xi32, #tpu.memory_space<vmem>>) semaphore(%run_scoped3A_376 : memref<!tpu.dma_semaphore, #tpu.memory_space<semaphore_mem>>) {add = true}
        %dma_wait3A_383 = arith.constant 0 : i32
        %dma_wait3A_384 = tpu.memref_slice %arg7[%run_scoped3A_280, %dma_wait3A_383] : memref<12x128xi32, #tpu.memory_space<vmem>> -> memref<1x128xi32, #tpu.memory_space<vmem>>
        %dma_wait3A_385 = tpu.memref_squeeze %dma_wait3A_384 : memref<1x128xi32, #tpu.memory_space<vmem>> -> memref<128xi32, #tpu.memory_space<vmem>>
        %dma_wait3A_386 = arith.constant 0 : i32
        %dma_wait3A_387 = arith.constant 0 : i32
        %dma_wait3A_388 = tpu.memref_slice %arg6[%dma_wait3A_386, %dma_wait3A_387] : memref<10112x128xf32, #tpu.memory_space<vmem_shared>> -> memref<10112x128xf32, #tpu.memory_space<vmem_shared>>
        tpu.wait_indirect_dma semaphore(%run_scoped3A_376 : memref<!tpu.dma_semaphore, #tpu.memory_space<semaphore_mem>>) src(%arg8 : memref<128x128xf32, #tpu.memory_space<vmem>>) dst(%dma_wait3A_388 : memref<10112x128xf32, #tpu.memory_space<vmem_shared>>)
        tpu.yield
      }) : () -> ()
      %add3A_281 = arith.constant 6 : i32
      %add3A_282 = arith.addi %add3A_158, %add3A_281 : i32
      %min3A_283 = arith.constant 79 : i32
      %min3A_284 = arith.minsi %add3A_282, %min3A_283 : i32
      %dma_start3A_285 = arith.constant 6 : i32
      %dma_start3A_286 = arith.constant 0 : i32
      %dma_start3A_287 = tpu.memref_slice %arg7[%dma_start3A_285, %dma_start3A_286] : memref<12x128xi32, #tpu.memory_space<vmem>> -> memref<3x128xi32, #tpu.memory_space<vmem>>
      %dma_start3A_288 = arith.constant 0 : i32
      %dma_start3A_289 = arith.constant 0 : i32
      %dma_start3A_290 = tpu.memref_slice %arg3[%add3A, %min3A_284, %dma_start3A_288, %dma_start3A_289] : memref<32x80x3x128xi32, #tpu.memory_space<hbm>> -> memref<1x1x3x128xi32, #tpu.memory_space<hbm>>
      %dma_start3A_291 = tpu.memref_squeeze %dma_start3A_290 : memref<1x1x3x128xi32, #tpu.memory_space<hbm>> -> memref<3x128xi32, #tpu.memory_space<hbm>>
      %dma_start3A_292 = arith.constant 6 : i32
      %dma_start3A_293 = arith.constant 0 : i32
      %dma_start3A_294 = tpu.memref_slice %arg7[%dma_start3A_292, %dma_start3A_293] : memref<12x128xi32, #tpu.memory_space<vmem>> -> memref<3x128xi32, #tpu.memory_space<vmem>>
      %dma_start3A_295 = arith.constant 0 : i32
      %dma_start3A_296 = arith.constant 0 : i32
      %dma_start3A_297 = tpu.memref_slice %arg3[%add3A, %min3A_284, %dma_start3A_295, %dma_start3A_296] : memref<32x80x3x128xi32, #tpu.memory_space<hbm>> -> memref<1x1x3x128xi32, #tpu.memory_space<hbm>>
      %dma_start3A_298 = tpu.memref_squeeze %dma_start3A_297 : memref<1x1x3x128xi32, #tpu.memory_space<hbm>> -> memref<3x128xi32, #tpu.memory_space<hbm>>
      tpu.enqueue_dma source(%dma_start3A_298 : memref<3x128xi32, #tpu.memory_space<hbm>>) target(%dma_start3A_294 : memref<3x128xi32, #tpu.memory_space<vmem>>) target_semaphore(%arg14 : memref<!tpu.dma_semaphore, #tpu.memory_space<semaphore_mem>>)
      %dma_wait3A_299 = arith.constant 0 : i32
      %dma_wait3A_300 = arith.constant 0 : i32
      %dma_wait3A_301 = arith.constant 0 : i32
      %dma_wait3A_302 = tpu.memref_slice %arg7[%dma_wait3A_300, %dma_wait3A_301] : memref<12x128xi32, #tpu.memory_space<vmem>> -> memref<3x128xi32, #tpu.memory_space<vmem>>
      %dma_wait3A_303 = arith.constant 0 : i32
      %dma_wait3A_304 = arith.constant 0 : i32
      %dma_wait3A_305 = tpu.memref_slice %arg3[%add3A, %dma_wait3A_299, %dma_wait3A_303, %dma_wait3A_304] : memref<32x80x3x128xi32, #tpu.memory_space<hbm>> -> memref<1x1x3x128xi32, #tpu.memory_space<hbm>>
      %dma_wait3A_306 = tpu.memref_squeeze %dma_wait3A_305 : memref<1x1x3x128xi32, #tpu.memory_space<hbm>> -> memref<3x128xi32, #tpu.memory_space<hbm>>
      %dma_wait3A_307 = arith.constant 0 : i32
      %dma_wait3A_308 = arith.constant 0 : i32
      %dma_wait3A_309 = tpu.memref_slice %arg7[%dma_wait3A_307, %dma_wait3A_308] : memref<12x128xi32, #tpu.memory_space<vmem>> -> memref<3x128xi32, #tpu.memory_space<vmem>>
      %dma_wait3A_310 = arith.constant 0 : i32
      %dma_wait3A_311 = arith.constant 0 : i32
      %dma_wait3A_312 = tpu.memref_slice %arg3[%add3A, %dma_wait3A_299, %dma_wait3A_310, %dma_wait3A_311] : memref<32x80x3x128xi32, #tpu.memory_space<hbm>> -> memref<1x1x3x128xi32, #tpu.memory_space<hbm>>
      %dma_wait3A_313 = tpu.memref_squeeze %dma_wait3A_312 : memref<1x1x3x128xi32, #tpu.memory_space<hbm>> -> memref<3x128xi32, #tpu.memory_space<hbm>>
      tpu.wait_dma2 semaphore(%arg12 : memref<!tpu.dma_semaphore, #tpu.memory_space<semaphore_mem>>) src(%dma_wait3A_313 : memref<3x128xi32, #tpu.memory_space<hbm>>) dst(%dma_wait3A_309 : memref<3x128xi32, #tpu.memory_space<vmem>>)
      %dma_start3A_314 = arith.constant 2 : i32
      %dma_start3A_315 = arith.constant 0 : i32
      %dma_start3A_316 = tpu.memref_slice %arg7[%dma_start3A_314, %dma_start3A_315] : memref<12x128xi32, #tpu.memory_space<vmem>> -> memref<1x128xi32, #tpu.memory_space<vmem>>
      %dma_start3A_317 = tpu.memref_squeeze %dma_start3A_316 : memref<1x128xi32, #tpu.memory_space<vmem>> -> memref<128xi32, #tpu.memory_space<vmem>>
      %dma_start3A_318 = arith.constant 0 : i32
      %dma_start3A_319 = arith.constant 0 : i32
      %dma_start3A_320 = tpu.memref_slice %arg2[%dma_start3A_318, %dma_start3A_319] : memref<10000x128xf32, #tpu.memory_space<hbm>> -> memref<10000x128xf32, #tpu.memory_space<hbm>>
      tpu.enqueue_indirect_dma source(%dma_start3A_320 : memref<10000x128xf32, #tpu.memory_space<hbm>>) target(%arg8 : memref<128x128xf32, #tpu.memory_space<vmem>>) offsets(%dma_start3A_317 : memref<128xi32, #tpu.memory_space<vmem>>) semaphore(%arg10 : memref<!tpu.dma_semaphore, #tpu.memory_space<semaphore_mem>>)
      %dma_wait3A_321 = arith.constant 2 : i32
      %dma_wait3A_322 = arith.constant 0 : i32
      %dma_wait3A_323 = tpu.memref_slice %arg7[%dma_wait3A_321, %dma_wait3A_322] : memref<12x128xi32, #tpu.memory_space<vmem>> -> memref<1x128xi32, #tpu.memory_space<vmem>>
      %dma_wait3A_324 = tpu.memref_squeeze %dma_wait3A_323 : memref<1x128xi32, #tpu.memory_space<vmem>> -> memref<128xi32, #tpu.memory_space<vmem>>
      %dma_wait3A_325 = arith.constant 0 : i32
      %dma_wait3A_326 = arith.constant 0 : i32
      %dma_wait3A_327 = tpu.memref_slice %arg2[%dma_wait3A_325, %dma_wait3A_326] : memref<10000x128xf32, #tpu.memory_space<hbm>> -> memref<10000x128xf32, #tpu.memory_space<hbm>>
      tpu.wait_indirect_dma semaphore(%arg11 : memref<!tpu.dma_semaphore, #tpu.memory_space<semaphore_mem>>) src(%dma_wait3A_327 : memref<10000x128xf32, #tpu.memory_space<hbm>>) dst(%arg9 : memref<128x128xf32, #tpu.memory_space<vmem>>)
      %broadcast_in_dim3A_328 = arith.constant 10 : i32
      %broadcast_in_dim3A_329 = vector.broadcast %broadcast_in_dim3A_328 : i32 to vector<16xi32>
      %scan3A_330 = arith.constant 0 : i32
      %scan3A_331 = arith.constant 128 : i32
      %scan3A_332 = arith.addi %scan3A_330, %scan3A_331 : i32
      %scan3A_333 = arith.constant 1 : i32
      scf.for %scan3A_376 = %scan3A_330 to %scan3A_332 step %scan3A_333  : i32 {
        %mul3A_377 = arith.constant 1 : i32
        %mul3A_378 = arith.muli %scan3A_376, %mul3A_377 : i32
        %add3A_379 = arith.constant 0 : i32
        %add3A_380 = arith.addi %add3A_379, %mul3A_378 : i32
        %broadcast_in_dim3A_381 = vector.broadcast %add3A_380 : i32 to vector<16xi32>
        %gather3A = tpu.vector_load_idx %arg7[%broadcast_in_dim3A_329, %broadcast_in_dim3A_381] : memref<12x128xi32, #tpu.memory_space<vmem>>[vector<16xi32>, vector<16xi32>], vector<16xi32>,
        %bitcast3A = vector.bitcast %gather3A : vector<16xi32> to vector<16xf32>
        %get3A = arith.index_cast %add3A_380 : i32 to index
        %get3A_382 = arith.constant 0 : index
        %get3A_383 = tpu.vector_load %arg9[%get3A, %get3A_382] {strides = array<i32>} : memref<128x128xf32, #tpu.memory_space<vmem>>, vector<16xf32>,
        %mul3A_384 = arith.mulf %get3A_383, %bitcast3A : vector<16xf32>
        %swap3A = arith.index_cast %add3A_380 : i32 to index
        %swap3A_385 = arith.constant 0 : index
        %swap3A_386 = tpu.vector_load %arg9[%swap3A, %swap3A_385] {strides = array<i32>} : memref<128x128xf32, #tpu.memory_space<vmem>>, vector<16xf32>,
        tpu.vector_store %arg9[%swap3A, %swap3A_385], %mul3A_384 {strides = array<i32>} : memref<128x128xf32, #tpu.memory_space<vmem>>, vector<16xf32>,
        %get3A_387 = arith.index_cast %add3A_380 : i32 to index
        %get3A_388 = arith.constant 16 : index
        %get3A_389 = tpu.vector_load %arg9[%get3A_387, %get3A_388] {strides = array<i32>} : memref<128x128xf32, #tpu.memory_space<vmem>>, vector<16xf32>,
        %mul3A_390 = arith.mulf %get3A_389, %bitcast3A : vector<16xf32>
        %swap3A_391 = arith.index_cast %add3A_380 : i32 to index
        %swap3A_392 = arith.constant 16 : index
        %swap3A_393 = tpu.vector_load %arg9[%swap3A_391, %swap3A_392] {strides = array<i32>} : memref<128x128xf32, #tpu.memory_space<vmem>>, vector<16xf32>,
        tpu.vector_store %arg9[%swap3A_391, %swap3A_392], %mul3A_390 {strides = array<i32>} : memref<128x128xf32, #tpu.memory_space<vmem>>, vector<16xf32>,
        %get3A_394 = arith.index_cast %add3A_380 : i32 to index
        %get3A_395 = arith.constant 32 : index
        %get3A_396 = tpu.vector_load %arg9[%get3A_394, %get3A_395] {strides = array<i32>} : memref<128x128xf32, #tpu.memory_space<vmem>>, vector<16xf32>,
        %mul3A_397 = arith.mulf %get3A_396, %bitcast3A : vector<16xf32>
        %swap3A_398 = arith.index_cast %add3A_380 : i32 to index
        %swap3A_399 = arith.constant 32 : index
        %swap3A_400 = tpu.vector_load %arg9[%swap3A_398, %swap3A_399] {strides = array<i32>} : memref<128x128xf32, #tpu.memory_space<vmem>>, vector<16xf32>,
        tpu.vector_store %arg9[%swap3A_398, %swap3A_399], %mul3A_397 {strides = array<i32>} : memref<128x128xf32, #tpu.memory_space<vmem>>, vector<16xf32>,
        %get3A_401 = arith.index_cast %add3A_380 : i32 to index
        %get3A_402 = arith.constant 48 : index
        %get3A_403 = tpu.vector_load %arg9[%get3A_401, %get3A_402] {strides = array<i32>} : memref<128x128xf32, #tpu.memory_space<vmem>>, vector<16xf32>,
        %mul3A_404 = arith.mulf %get3A_403, %bitcast3A : vector<16xf32>
        %swap3A_405 = arith.index_cast %add3A_380 : i32 to index
        %swap3A_406 = arith.constant 48 : index
        %swap3A_407 = tpu.vector_load %arg9[%swap3A_405, %swap3A_406] {strides = array<i32>} : memref<128x128xf32, #tpu.memory_space<vmem>>, vector<16xf32>,
        tpu.vector_store %arg9[%swap3A_405, %swap3A_406], %mul3A_404 {strides = array<i32>} : memref<128x128xf32, #tpu.memory_space<vmem>>, vector<16xf32>,
        %get3A_408 = arith.index_cast %add3A_380 : i32 to index
        %get3A_409 = arith.constant 64 : index
        %get3A_410 = tpu.vector_load %arg9[%get3A_408, %get3A_409] {strides = array<i32>} : memref<128x128xf32, #tpu.memory_space<vmem>>, vector<16xf32>,
        %mul3A_411 = arith.mulf %get3A_410, %bitcast3A : vector<16xf32>
        %swap3A_412 = arith.index_cast %add3A_380 : i32 to index
        %swap3A_413 = arith.constant 64 : index
        %swap3A_414 = tpu.vector_load %arg9[%swap3A_412, %swap3A_413] {strides = array<i32>} : memref<128x128xf32, #tpu.memory_space<vmem>>, vector<16xf32>,
        tpu.vector_store %arg9[%swap3A_412, %swap3A_413], %mul3A_411 {strides = array<i32>} : memref<128x128xf32, #tpu.memory_space<vmem>>, vector<16xf32>,
        %get3A_415 = arith.index_cast %add3A_380 : i32 to index
        %get3A_416 = arith.constant 80 : index
        %get3A_417 = tpu.vector_load %arg9[%get3A_415, %get3A_416] {strides = array<i32>} : memref<128x128xf32, #tpu.memory_space<vmem>>, vector<16xf32>,
        %mul3A_418 = arith.mulf %get3A_417, %bitcast3A : vector<16xf32>
        %swap3A_419 = arith.index_cast %add3A_380 : i32 to index
        %swap3A_420 = arith.constant 80 : index
        %swap3A_421 = tpu.vector_load %arg9[%swap3A_419, %swap3A_420] {strides = array<i32>} : memref<128x128xf32, #tpu.memory_space<vmem>>, vector<16xf32>,
        tpu.vector_store %arg9[%swap3A_419, %swap3A_420], %mul3A_418 {strides = array<i32>} : memref<128x128xf32, #tpu.memory_space<vmem>>, vector<16xf32>,
        %get3A_422 = arith.index_cast %add3A_380 : i32 to index
        %get3A_423 = arith.constant 96 : index
        %get3A_424 = tpu.vector_load %arg9[%get3A_422, %get3A_423] {strides = array<i32>} : memref<128x128xf32, #tpu.memory_space<vmem>>, vector<16xf32>,
        %mul3A_425 = arith.mulf %get3A_424, %bitcast3A : vector<16xf32>
        %swap3A_426 = arith.index_cast %add3A_380 : i32 to index
        %swap3A_427 = arith.constant 96 : index
        %swap3A_428 = tpu.vector_load %arg9[%swap3A_426, %swap3A_427] {strides = array<i32>} : memref<128x128xf32, #tpu.memory_space<vmem>>, vector<16xf32>,
        tpu.vector_store %arg9[%swap3A_426, %swap3A_427], %mul3A_425 {strides = array<i32>} : memref<128x128xf32, #tpu.memory_space<vmem>>, vector<16xf32>,
        %get3A_429 = arith.index_cast %add3A_380 : i32 to index
        %get3A_430 = arith.constant 112 : index
        %get3A_431 = tpu.vector_load %arg9[%get3A_429, %get3A_430] {strides = array<i32>} : memref<128x128xf32, #tpu.memory_space<vmem>>, vector<16xf32>,
        %mul3A_432 = arith.mulf %get3A_431, %bitcast3A : vector<16xf32>
        %swap3A_433 = arith.index_cast %add3A_380 : i32 to index
        %swap3A_434 = arith.constant 112 : index
        %swap3A_435 = tpu.vector_load %arg9[%swap3A_433, %swap3A_434] {strides = array<i32>} : memref<128x128xf32, #tpu.memory_space<vmem>>, vector<16xf32>,
        tpu.vector_store %arg9[%swap3A_433, %swap3A_434], %mul3A_432 {strides = array<i32>} : memref<128x128xf32, #tpu.memory_space<vmem>>, vector<16xf32>,
      }
      %scan3A_334 = arith.constant 128 : i32
      %run_scoped3A_335 = arith.constant 9 : i32
      "tpu.region"() ({
        %run_scoped3A_376 = tpu.sem_alloc : memref<!tpu.dma_semaphore, #tpu.memory_space<semaphore_mem>>
        %dma_start3A_377 = arith.constant 0 : i32
        %dma_start3A_378 = tpu.memref_slice %arg7[%run_scoped3A_335, %dma_start3A_377] : memref<12x128xi32, #tpu.memory_space<vmem>> -> memref<1x128xi32, #tpu.memory_space<vmem>>
        %dma_start3A_379 = tpu.memref_squeeze %dma_start3A_378 : memref<1x128xi32, #tpu.memory_space<vmem>> -> memref<128xi32, #tpu.memory_space<vmem>>
        %dma_start3A_380 = arith.constant 0 : i32
        %dma_start3A_381 = arith.constant 0 : i32
        %dma_start3A_382 = tpu.memref_slice %arg6[%dma_start3A_380, %dma_start3A_381] : memref<10112x128xf32, #tpu.memory_space<vmem_shared>> -> memref<10112x128xf32, #tpu.memory_space<vmem_shared>>
        tpu.enqueue_indirect_dma source(%arg9 : memref<128x128xf32, #tpu.memory_space<vmem>>) target(%dma_start3A_382 : memref<10112x128xf32, #tpu.memory_space<vmem_shared>>) offsets(%dma_start3A_379 : memref<128xi32, #tpu.memory_space<vmem>>) semaphore(%run_scoped3A_376 : memref<!tpu.dma_semaphore, #tpu.memory_space<semaphore_mem>>) {add = true}
        %dma_wait3A_383 = arith.constant 0 : i32
        %dma_wait3A_384 = tpu.memref_slice %arg7[%run_scoped3A_335, %dma_wait3A_383] : memref<12x128xi32, #tpu.memory_space<vmem>> -> memref<1x128xi32, #tpu.memory_space<vmem>>
        %dma_wait3A_385 = tpu.memref_squeeze %dma_wait3A_384 : memref<1x128xi32, #tpu.memory_space<vmem>> -> memref<128xi32, #tpu.memory_space<vmem>>
        %dma_wait3A_386 = arith.constant 0 : i32
        %dma_wait3A_387 = arith.constant 0 : i32
        %dma_wait3A_388 = tpu.memref_slice %arg6[%dma_wait3A_386, %dma_wait3A_387] : memref<10112x128xf32, #tpu.memory_space<vmem_shared>> -> memref<10112x128xf32, #tpu.memory_space<vmem_shared>>
        tpu.wait_indirect_dma semaphore(%run_scoped3A_376 : memref<!tpu.dma_semaphore, #tpu.memory_space<semaphore_mem>>) src(%arg9 : memref<128x128xf32, #tpu.memory_space<vmem>>) dst(%dma_wait3A_388 : memref<10112x128xf32, #tpu.memory_space<vmem_shared>>)
        tpu.yield
      }) : () -> ()
      %add3A_336 = arith.constant 7 : i32
      %add3A_337 = arith.addi %add3A_158, %add3A_336 : i32
      %min3A_338 = arith.constant 79 : i32
      %min3A_339 = arith.minsi %add3A_337, %min3A_338 : i32
      %dma_start3A_340 = arith.constant 9 : i32
      %dma_start3A_341 = arith.constant 0 : i32
      %dma_start3A_342 = tpu.memref_slice %arg7[%dma_start3A_340, %dma_start3A_341] : memref<12x128xi32, #tpu.memory_space<vmem>> -> memref<3x128xi32, #tpu.memory_space<vmem>>
      %dma_start3A_343 = arith.constant 0 : i32
      %dma_start3A_344 = arith.constant 0 : i32
      %dma_start3A_345 = tpu.memref_slice %arg3[%add3A, %min3A_339, %dma_start3A_343, %dma_start3A_344] : memref<32x80x3x128xi32, #tpu.memory_space<hbm>> -> memref<1x1x3x128xi32, #tpu.memory_space<hbm>>
      %dma_start3A_346 = tpu.memref_squeeze %dma_start3A_345 : memref<1x1x3x128xi32, #tpu.memory_space<hbm>> -> memref<3x128xi32, #tpu.memory_space<hbm>>
      %dma_start3A_347 = arith.constant 9 : i32
      %dma_start3A_348 = arith.constant 0 : i32
      %dma_start3A_349 = tpu.memref_slice %arg7[%dma_start3A_347, %dma_start3A_348] : memref<12x128xi32, #tpu.memory_space<vmem>> -> memref<3x128xi32, #tpu.memory_space<vmem>>
      %dma_start3A_350 = arith.constant 0 : i32
      %dma_start3A_351 = arith.constant 0 : i32
      %dma_start3A_352 = tpu.memref_slice %arg3[%add3A, %min3A_339, %dma_start3A_350, %dma_start3A_351] : memref<32x80x3x128xi32, #tpu.memory_space<hbm>> -> memref<1x1x3x128xi32, #tpu.memory_space<hbm>>
      %dma_start3A_353 = tpu.memref_squeeze %dma_start3A_352 : memref<1x1x3x128xi32, #tpu.memory_space<hbm>> -> memref<3x128xi32, #tpu.memory_space<hbm>>
      tpu.enqueue_dma source(%dma_start3A_353 : memref<3x128xi32, #tpu.memory_space<hbm>>) target(%dma_start3A_349 : memref<3x128xi32, #tpu.memory_space<vmem>>) target_semaphore(%arg15 : memref<!tpu.dma_semaphore, #tpu.memory_space<semaphore_mem>>)
      %dma_wait3A_354 = arith.constant 0 : i32
      %dma_wait3A_355 = arith.constant 3 : i32
      %dma_wait3A_356 = arith.constant 0 : i32
      %dma_wait3A_357 = tpu.memref_slice %arg7[%dma_wait3A_355, %dma_wait3A_356] : memref<12x128xi32, #tpu.memory_space<vmem>> -> memref<3x128xi32, #tpu.memory_space<vmem>>
      %dma_wait3A_358 = arith.constant 0 : i32
      %dma_wait3A_359 = arith.constant 0 : i32
      %dma_wait3A_360 = tpu.memref_slice %arg3[%add3A, %dma_wait3A_354, %dma_wait3A_358, %dma_wait3A_359] : memref<32x80x3x128xi32, #tpu.memory_space<hbm>> -> memref<1x1x3x128xi32, #tpu.memory_space<hbm>>
      %dma_wait3A_361 = tpu.memref_squeeze %dma_wait3A_360 : memref<1x1x3x128xi32, #tpu.memory_space<hbm>> -> memref<3x128xi32, #tpu.memory_space<hbm>>
      %dma_wait3A_362 = arith.constant 3 : i32
      %dma_wait3A_363 = arith.constant 0 : i32
      %dma_wait3A_364 = tpu.memref_slice %arg7[%dma_wait3A_362, %dma_wait3A_363] : memref<12x128xi32, #tpu.memory_space<vmem>> -> memref<3x128xi32, #tpu.memory_space<vmem>>
      %dma_wait3A_365 = arith.constant 0 : i32
      %dma_wait3A_366 = arith.constant 0 : i32
      %dma_wait3A_367 = tpu.memref_slice %arg3[%add3A, %dma_wait3A_354, %dma_wait3A_365, %dma_wait3A_366] : memref<32x80x3x128xi32, #tpu.memory_space<hbm>> -> memref<1x1x3x128xi32, #tpu.memory_space<hbm>>
      %dma_wait3A_368 = tpu.memref_squeeze %dma_wait3A_367 : memref<1x1x3x128xi32, #tpu.memory_space<hbm>> -> memref<3x128xi32, #tpu.memory_space<hbm>>
      tpu.wait_dma2 semaphore(%arg13 : memref<!tpu.dma_semaphore, #tpu.memory_space<semaphore_mem>>) src(%dma_wait3A_368 : memref<3x128xi32, #tpu.memory_space<hbm>>) dst(%dma_wait3A_364 : memref<3x128xi32, #tpu.memory_space<vmem>>)
      %dma_start3A_369 = arith.constant 5 : i32
      %dma_start3A_370 = arith.constant 0 : i32
      %dma_start3A_371 = tpu.memref_slice %arg7[%dma_start3A_369, %dma_start3A_370] : memref<12x128xi32, #tpu.memory_space<vmem>> -> memref<1x128xi32, #tpu.memory_space<vmem>>
      %dma_start3A_372 = tpu.memref_squeeze %dma_start3A_371 : memref<1x128xi32, #tpu.memory_space<vmem>> -> memref<128xi32, #tpu.memory_space<vmem>>
      %dma_start3A_373 = arith.constant 0 : i32
      %dma_start3A_374 = arith.constant 0 : i32
      %dma_start3A_375 = tpu.memref_slice %arg2[%dma_start3A_373, %dma_start3A_374] : memref<10000x128xf32, #tpu.memory_space<hbm>> -> memref<10000x128xf32, #tpu.memory_space<hbm>>
      tpu.enqueue_indirect_dma source(%dma_start3A_375 : memref<10000x128xf32, #tpu.memory_space<hbm>>) target(%arg9 : memref<128x128xf32, #tpu.memory_space<vmem>>) offsets(%dma_start3A_372 : memref<128xi32, #tpu.memory_space<vmem>>) semaphore(%arg11 : memref<!tpu.dma_semaphore, #tpu.memory_space<semaphore_mem>>)
    }
    %scan3A_108 = arith.constant 20 : i32
    %dma_wait3A_109 = arith.constant 2 : i32
    %dma_wait3A_110 = arith.constant 0 : i32
    %dma_wait3A_111 = tpu.memref_slice %arg7[%dma_wait3A_109, %dma_wait3A_110] : memref<12x128xi32, #tpu.memory_space<vmem>> -> memref<1x128xi32, #tpu.memory_space<vmem>>
    %dma_wait3A_112 = tpu.memref_squeeze %dma_wait3A_111 : memref<1x128xi32, #tpu.memory_space<vmem>> -> memref<128xi32, #tpu.memory_space<vmem>>
    %dma_wait3A_113 = arith.constant 0 : i32
    %dma_wait3A_114 = arith.constant 0 : i32
    %dma_wait3A_115 = tpu.memref_slice %arg2[%dma_wait3A_113, %dma_wait3A_114] : memref<10000x128xf32, #tpu.memory_space<hbm>> -> memref<10000x128xf32, #tpu.memory_space<hbm>>
    tpu.wait_indirect_dma semaphore(%arg10 : memref<!tpu.dma_semaphore, #tpu.memory_space<semaphore_mem>>) src(%dma_wait3A_115 : memref<10000x128xf32, #tpu.memory_space<hbm>>) dst(%arg8 : memref<128x128xf32, #tpu.memory_space<vmem>>)
    %dma_wait3A_116 = arith.constant 2 : i32
    %dma_wait3A_117 = arith.constant 0 : i32
    %dma_wait3A_118 = tpu.memref_slice %arg7[%dma_wait3A_116, %dma_wait3A_117] : memref<12x128xi32, #tpu.memory_space<vmem>> -> memref<1x128xi32, #tpu.memory_space<vmem>>
    %dma_wait3A_119 = tpu.memref_squeeze %dma_wait3A_118 : memref<1x128xi32, #tpu.memory_space<vmem>> -> memref<128xi32, #tpu.memory_space<vmem>>
    %dma_wait3A_120 = arith.constant 0 : i32
    %dma_wait3A_121 = arith.constant 0 : i32
    %dma_wait3A_122 = tpu.memref_slice %arg2[%dma_wait3A_120, %dma_wait3A_121] : memref<10000x128xf32, #tpu.memory_space<hbm>> -> memref<10000x128xf32, #tpu.memory_space<hbm>>
    tpu.wait_indirect_dma semaphore(%arg11 : memref<!tpu.dma_semaphore, #tpu.memory_space<semaphore_mem>>) src(%dma_wait3A_122 : memref<10000x128xf32, #tpu.memory_space<hbm>>) dst(%arg9 : memref<128x128xf32, #tpu.memory_space<vmem>>)
    %dma_wait3A_123 = arith.constant 0 : i32
    %dma_wait3A_124 = arith.constant 6 : i32
    %dma_wait3A_125 = arith.constant 0 : i32
    %dma_wait3A_126 = tpu.memref_slice %arg7[%dma_wait3A_124, %dma_wait3A_125] : memref<12x128xi32, #tpu.memory_space<vmem>> -> memref<3x128xi32, #tpu.memory_space<vmem>>
    %dma_wait3A_127 = arith.constant 0 : i32
    %dma_wait3A_128 = arith.constant 0 : i32
    %dma_wait3A_129 = tpu.memref_slice %arg3[%add3A, %dma_wait3A_123, %dma_wait3A_127, %dma_wait3A_128] : memref<32x80x3x128xi32, #tpu.memory_space<hbm>> -> memref<1x1x3x128xi32, #tpu.memory_space<hbm>>
    %dma_wait3A_130 = tpu.memref_squeeze %dma_wait3A_129 : memref<1x1x3x128xi32, #tpu.memory_space<hbm>> -> memref<3x128xi32, #tpu.memory_space<hbm>>
    %dma_wait3A_131 = arith.constant 6 : i32
    %dma_wait3A_132 = arith.constant 0 : i32
    %dma_wait3A_133 = tpu.memref_slice %arg7[%dma_wait3A_131, %dma_wait3A_132] : memref<12x128xi32, #tpu.memory_space<vmem>> -> memref<3x128xi32, #tpu.memory_space<vmem>>
    %dma_wait3A_134 = arith.constant 0 : i32
    %dma_wait3A_135 = arith.constant 0 : i32
    %dma_wait3A_136 = tpu.memref_slice %arg3[%add3A, %dma_wait3A_123, %dma_wait3A_134, %dma_wait3A_135] : memref<32x80x3x128xi32, #tpu.memory_space<hbm>> -> memref<1x1x3x128xi32, #tpu.memory_space<hbm>>
    %dma_wait3A_137 = tpu.memref_squeeze %dma_wait3A_136 : memref<1x1x3x128xi32, #tpu.memory_space<hbm>> -> memref<3x128xi32, #tpu.memory_space<hbm>>
    tpu.wait_dma2 semaphore(%arg14 : memref<!tpu.dma_semaphore, #tpu.memory_space<semaphore_mem>>) src(%dma_wait3A_137 : memref<3x128xi32, #tpu.memory_space<hbm>>) dst(%dma_wait3A_133 : memref<3x128xi32, #tpu.memory_space<vmem>>)
    %dma_wait3A_138 = arith.constant 0 : i32
    %dma_wait3A_139 = arith.constant 9 : i32
    %dma_wait3A_140 = arith.constant 0 : i32
    %dma_wait3A_141 = tpu.memref_slice %arg7[%dma_wait3A_139, %dma_wait3A_140] : memref<12x128xi32, #tpu.memory_space<vmem>> -> memref<3x128xi32, #tpu.memory_space<vmem>>
    %dma_wait3A_142 = arith.constant 0 : i32
    %dma_wait3A_143 = arith.constant 0 : i32
    %dma_wait3A_144 = tpu.memref_slice %arg3[%add3A, %dma_wait3A_138, %dma_wait3A_142, %dma_wait3A_143] : memref<32x80x3x128xi32, #tpu.memory_space<hbm>> -> memref<1x1x3x128xi32, #tpu.memory_space<hbm>>
    %dma_wait3A_145 = tpu.memref_squeeze %dma_wait3A_144 : memref<1x1x3x128xi32, #tpu.memory_space<hbm>> -> memref<3x128xi32, #tpu.memory_space<hbm>>
    %dma_wait3A_146 = arith.constant 9 : i32
    %dma_wait3A_147 = arith.constant 0 : i32
    %dma_wait3A_148 = tpu.memref_slice %arg7[%dma_wait3A_146, %dma_wait3A_147] : memref<12x128xi32, #tpu.memory_space<vmem>> -> memref<3x128xi32, #tpu.memory_space<vmem>>
    %dma_wait3A_149 = arith.constant 0 : i32
    %dma_wait3A_150 = arith.constant 0 : i32
    %dma_wait3A_151 = tpu.memref_slice %arg3[%add3A, %dma_wait3A_138, %dma_wait3A_149, %dma_wait3A_150] : memref<32x80x3x128xi32, #tpu.memory_space<hbm>> -> memref<1x1x3x128xi32, #tpu.memory_space<hbm>>
    %dma_wait3A_152 = tpu.memref_squeeze %dma_wait3A_151 : memref<1x1x3x128xi32, #tpu.memory_space<hbm>> -> memref<3x128xi32, #tpu.memory_space<hbm>>
    tpu.wait_dma2 semaphore(%arg15 : memref<!tpu.dma_semaphore, #tpu.memory_space<semaphore_mem>>) src(%dma_wait3A_152 : memref<3x128xi32, #tpu.memory_space<hbm>>) dst(%dma_wait3A_148 : memref<3x128xi32, #tpu.memory_space<vmem>>)
    %barrier3A_153 = arith.constant 0 : index
    tpu.barrier barrier_id(%barrier3A_153)
    "tpu.region"() ({
      %run_scoped3A = tpu.sem_alloc : memref<!tpu.dma_semaphore, #tpu.memory_space<semaphore_mem>>
      %dma_start3A_154 = arith.constant 0 : i32
      %dma_start3A_155 = tpu.memref_slice %arg5[%arg0, %mul3A_2, %dma_start3A_154] : memref<2x10112x128xf32, #tpu.memory_space<hbm>> -> memref<1x632x128xf32, #tpu.memory_space<hbm>>
      %dma_start3A_156 = tpu.memref_squeeze %dma_start3A_155 : memref<1x632x128xf32, #tpu.memory_space<hbm>> -> memref<632x128xf32, #tpu.memory_space<hbm>>
      %dma_start3A_157 = arith.constant 0 : i32
      %dma_start3A_158 = tpu.memref_slice %arg6[%mul3A_2, %dma_start3A_157] : memref<10112x128xf32, #tpu.memory_space<vmem_shared>> -> memref<632x128xf32, #tpu.memory_space<vmem_shared>>
      tpu.enqueue_dma source(%dma_start3A_158 : memref<632x128xf32, #tpu.memory_space<vmem_shared>>) target(%dma_start3A_156 : memref<632x128xf32, #tpu.memory_space<hbm>>) target_semaphore(%run_scoped3A : memref<!tpu.dma_semaphore, #tpu.memory_space<semaphore_mem>>)
      %dma_wait3A_159 = arith.constant 0 : i32
      %dma_wait3A_160 = tpu.memref_slice %arg5[%arg0, %mul3A_2, %dma_wait3A_159] : memref<2x10112x128xf32, #tpu.memory_space<hbm>> -> memref<1x632x128xf32, #tpu.memory_space<hbm>>
      %dma_wait3A_161 = tpu.memref_squeeze %dma_wait3A_160 : memref<1x632x128xf32, #tpu.memory_space<hbm>> -> memref<632x128xf32, #tpu.memory_space<hbm>>
      %dma_wait3A_162 = arith.constant 0 : i32
      %dma_wait3A_163 = tpu.memref_slice %arg6[%mul3A_2, %dma_wait3A_162] : memref<10112x128xf32, #tpu.memory_space<vmem_shared>> -> memref<632x128xf32, #tpu.memory_space<vmem_shared>>
      tpu.wait_dma2 semaphore(%run_scoped3A : memref<!tpu.dma_semaphore, #tpu.memory_space<semaphore_mem>>) src(%dma_wait3A_163 : memref<632x128xf32, #tpu.memory_space<vmem_shared>>) dst(%dma_wait3A_161 : memref<632x128xf32, #tpu.memory_space<hbm>>)
      tpu.yield
    }) : () -> ()
    return
  }
}

</mosaic_0001>

<sc_bundles>
// kernel: _sc_scatter.3.cloned.1.call-start
scs
__scs_entry_jumppad:
0x0: {  	(pc) =	sbr.rel $0x88, $3  }
0x1: {  	(tag) =	ssettag $0x0;
	lr =	simm.s32 $0x1  }
0x2: {  	[smem:$0x3F9E] =	sst lr;
	_ =	strace $0xD0000000  }
0x3: {  	_ = 	snop  }
0x4: {  	_ = 	snop  }
0x5: {  	_ = 	snop  }
0x6: {  	_ = 	snop  }
0x7: {  	_ = 	snop  }
__scs_overlays_trampoline_lowered:
0x8: {  	[smem:$0x3FAD] =	sst s0  }
0x9: {  	[smem:$0x3FAE] =	sst s1  }
0xa: {  	[smem:$0x3FAF] =	sst s2  }
0xb: {  	[smem:$0x3FB0] =	sst s3  }
0xc: {  	[smem:$0x3FB1] =	sst s4  }
0xd: {  	[smem:$0x3FB2] =	sst s5  }
0xe: {  	[smem:$0x3FB3] =	sst s6  }
0xf: {  	[smem:$0x3FB4] =	sst s7  }
0x10: {  	[smem:$0x3FB5] =	sst s8  }
0x11: {  	[smem:$0x3FB6] =	sst s9;
	s0 =	simm.s32 @!p0 $0x0  }
0x12: {  	s1 =	sld [smem:$0x3F9C];
	s0 =	simm.s32 @p0 $0x1  }
0x13: {  	[smem:$0x3FB7] =	sst s0;
	s0 =	simm.s32 @!p1 $0x0  }
0x14: {  	s2 =	sld [smem:$0x3F9B];
	s0 =	simm.s32 @p1 $0x1  }
0x15: {  	[smem:$0x3FB8] =	sst s0;
	s0 =	simm.s32 @!p2 $0x0  }
0x16: {  	s3 =	sld [smem:$0x3FDB];
	s0 =	simm.s32 @p2 $0x1  }
0x17: {  	s4 =	simm.s32 $0x1BF5;
	[smem:$0x3FBA] =	sst s0  }
0x18: {  	s0 =	sld [smem:$0x3F9D];
	_ =	swait.ge [sflag:s4], $0x0  }
0x19: {  	s7 =	sld [smem:$0x3F9E]  }
0x1a: {  	s8 =	sadd.s32 $0xFFFFE003, lr  }
0x1b: {  	s9 =	sadd.s32 $0xFFFFFEF7, lr;
	s5 =	simm.s32 $0xFFFFFFFF;
	p2 =	slt.u32 s8, $0xFFFFF086  }
0x1c: {  	p1 =	slt.u32 s9, $0xF7A;
	s5 =	simm.s32 @!p2 $0x0  }
0x1d: {  	s5 =	simm.s32 @p1 $0x1;
	p0 =	seq.s32 s7, s2  }
0x1e: {  	s7 =	smul.u32 @!p0 $0xF7A, s2;
	p2 =	seq.s32 @!p0 s5, $0x0  }
0x1f: {  	s9 =	smul.u32 $0xF7A, s1;
	s8 =	simm.s32 @!p0 $0x1BF5;
	p2 =	por !p2, p0  }
0x20: {  	[sflag:s8] =	ssyncset.s32 @!p0 $0xFFFFF086;
	s6 =	sadd.s32 @!p0 s3, s7;
	s7 =	simm.s32 @!p0 $0x108  }
0x21: {  	s3 =	sadd.s32 s3, s9;
	s6 =	sadd.s32 @!p0 $0x88, s6;
	s7 =	simm.s32 @p2 $0x1082  }
0x22: {  	[simem:s7], [sflag:s8] =	dma.local @!p0 [hbm:s6], $0xF7A  }
0x23: {  	s9 =	sor.u32 $0xD0000000, s2;
	s6 =	simm.s32 $0x108;
	_ =	swait.ge @!p0 [sflag:s8], $0x0  }
0x24: {  	s3 =	sadd.s32 $0x88, s3;
	s6 =	simm.s32 @!p1 $0x1082;
	[sflag:s4] =	ssyncset.s32 $0xFFFFF086  }
0x25: {  	[simem:s6], [sflag:s4] =	dma.local [hbm:s3], $0xF7A  }
0x26: {  	[smem:$0x3F9E] =	sst s1;
	(tag) =	ssettag s2;
	_ =	strace s9  }
0x27: {  	s1 =	sld [smem:$0x3FAE]  }
0x28: {  	s2 =	sld [smem:$0x3FAF]  }
0x29: {  	s4 =	sld [smem:$0x3FB1]  }
0x2a: {  	p0 =	seq.s32 s5, $0x0;
	s5 =	sld [smem:$0x3FB2]  }
0x2b: {  	s6 =	sld [smem:$0x3FB3]  }
0x2c: {  	s7 =	sld [smem:$0x3FB4]  }
0x2d: {  	s3 =	simm.s32 $0x108;
	s8 =	sld [smem:$0x3FB5]  }
0x2e: {  	s3 =	simm.s32 @!p0 $0x1082;
	s9 =	sld [smem:$0x3FB6]  }
0x2f: {  	lr =	sadd.s32 s0, s3;
	s0 =	sld [smem:$0x3FAD]  }
0x30: {  	s3 =	sld [smem:$0x3FB0]  }
0x31: {  	[smem:$0x3FB9] =	sst s10  }
0x32: {  	s10 =	sld [smem:$0x3FB7];
	_ =	sdelay $0x3  }
0x33: {  	p0 =	seq.s32 s10, $0x1;
	s10 =	sld [smem:$0x3FB9];
	_ =	sdelay $0x3  }
0x34: {  	[smem:$0x3FB9] =	sst s10  }
0x35: {  	s10 =	sld [smem:$0x3FB8];
	_ =	sdelay $0x3  }
0x36: {  	p1 =	seq.s32 s10, $0x1;
	s10 =	sld [smem:$0x3FB9];
	_ =	sdelay $0x3  }
0x37: {  	[smem:$0x3FB9] =	sst s10  }
0x38: {  	s10 =	sld [smem:$0x3FBA]  }
0x39: {  	_ = 	snop;
	(pc) =	sbr.ind lr, $3  }
0x3a: {  	_ = 	snop  }
0x3b: {  	_ = 	snop  }
0x3c: {  	p2 =	seq.s32 s10, $0x1;
	s10 =	sld [smem:$0x3FB9]  }
0x3d: {  	_ =	shalt  }
0x3e: {  	_ =	shalt  }
0x3f: {  	_ =	shalt  }
0x40: {  	_ =	shalt  }
0x41: {  	_ =	shalt  }
0x42: {  	_ =	shalt  }
0x43: {  	_ =	shalt  }
0x44: {  	_ =	shalt  }
0x45: {  	_ =	shalt  }
0x46: {  	_ =	shalt  }
0x47: {  	_ =	shalt  }
0x48: {  	_ =	shalt  }
0x49: {  	_ =	shalt  }
0x4a: {  	_ =	shalt  }
0x4b: {  	_ =	shalt  }
0x4c: {  	_ =	shalt  }
0x4d: {  	_ =	shalt  }
0x4e: {  	_ =	shalt  }
0x4f: {  	_ =	shalt  }
0x50: {  	_ =	shalt  }
0x51: {  	_ =	shalt  }
0x52: {  	_ =	shalt  }
0x53: {  	_ =	shalt  }
0x54: {  	_ =	shalt  }
0x55: {  	_ =	shalt  }
0x56: {  	_ =	shalt  }
0x57: {  	_ =	shalt  }
0x58: {  	_ =	shalt  }
0x59: {  	_ =	shalt  }
0x5a: {  	_ =	shalt  }
0x5b: {  	_ =	shalt  }
0x5c: {  	_ =	shalt  }
0x5d: {  	_ =	shalt  }
0x5e: {  	_ =	shalt  }
0x5f: {  	_ =	shalt  }
0x60: {  	_ =	shalt  }
0x61: {  	_ =	shalt  }
0x62: {  	_ =	shalt  }
0x63: {  	_ =	shalt  }
0x64: {  	_ =	shalt  }
0x65: {  	_ =	shalt  }
0x66: {  	_ =	shalt  }
0x67: {  	_ =	shalt  }
0x68: {  	_ =	shalt  }
0x69: {  	_ =	shalt  }
0x6a: {  	_ =	shalt  }
0x6b: {  	_ =	shalt  }
0x6c: {  	_ =	shalt  }
0x6d: {  	_ =	shalt  }
0x6e: {  	_ =	shalt  }
0x6f: {  	_ =	shalt  }
0x70: {  	_ =	shalt  }
0x71: {  	_ =	shalt  }
0x72: {  	_ =	shalt  }
0x73: {  	_ =	shalt  }
0x74: {  	_ =	shalt  }
0x75: {  	_ =	shalt  }
0x76: {  	_ =	shalt  }
0x77: {  	_ =	shalt  }
0x78: {  	_ =	shalt  }
0x79: {  	_ =	shalt  }
0x7a: {  	_ =	shalt  }
0x7b: {  	_ =	shalt  }
0x7c: {  	_ =	shalt  }
0x7d: {  	_ =	shalt  }
0x7e: {  	_ =	shalt  }
0x7f: {  	_ =	shalt  }
0x80: {  	_ =	shalt  }
0x81: {  	_ =	shalt  }
0x82: {  	_ =	shalt  }
0x83: {  	_ =	shalt  }
0x84: {  	_ =	shalt  }
0x85: {  	_ =	shalt  }
0x86: {  	_ =	shalt  }
0x87: {  	_ =	shalt  }
.Lfunc_end0:
.L_simem_size_0:
called_computation_lowered:
.L_overlay_start_0:
0x88: {  	s2 =	sld [smem:$0x3FD9]  }
0x89: {  	s3 =	sld [smem:$0x3FFE];
	_ =	sdelay $0x1  }
0x8a: {  	s1 =	srdreg.scid  }
0x8b: {  	s0 =	sand.u32 $0x1, s1  }
0x8c: {  	s17 =	sshll.u32 s0, $0xA;
	s2 =	sadd.s32 s3, s2  }
0x8d: {  	s2 =	sadd.s32 s2, s17  }
0x8e: {  	[smem:$0x3FC5] =	sst s2  }
0x8f: {  	_ = 	snop  }
0x90: {  	s2 =	sld [smem:$0x3FC9]  }
0x91: {  	s18 =	sld [smem:$0x3FC7]  }
0x92: {  	s4 =	sld [smem:$0x3FD0];
	(tm) =	ssettm $0x1  }
0x93: {  	s5 =	sld [smem:$0x3FFB];
	_ =	sdelay $0x3  }
0x94: {  	_ =	strace s5  }
0x95: {  	s5 =	sld [smem:$0x3FFC];
	_ =	sdelay $0x3  }
0x96: {  	_ =	strace s5  }
0x97: {  	s5 =	sld [smem:$0x3FFD];
	_ =	sdelay $0x3  }
0x98: {  	_ =	strace s5  }
0x99: {  	_ =	strace $0x8FFFFFFF  }
0x9a: {  	s19 =	sld [smem:$0x3FDB];
	_ =	sdelay $0x1  }
0x9b: {  	s6 =	simm.s32 $_scs_section_size  }
0x9c: {  	s7 =	simm.s32 $_size__tile_overlayer_lowered;
	s8 =	simm.s32 $_tile_overlayer_lowered  }
0x9d: {  	s22 =	simm.s32 $0x1BFF;
	s21 =	sshll.u32 s8, $0x1;
	s5 =	sadd.s32 s6, s19  }
0x9e: {  	s9 =	simm.s32 $0x0;
	s20 =	sshll.u32 s7, $0x1;
	s7 =	sadd.s32 s21, s5  }
0x9f: {  	[timem:s9], [sflag:s22] =	dma.local [hbm:s7], s20  }
0xa0: {  	_ =	swait.ge [sflag:s22], s20  }
0xa1: {  	s6 =	ssub.s32 $0x0, s20;
	[sflag:s22] =	ssyncset.done $0x0  }
0xa2: {  	[sflag:s22] =	ssyncadd.s32 s6;
	_ =	sdelay $0x1  }
0xa3: {  	s23 =	simm.s32 $0x1B8B  }
0xa4: {  	_ =	swait.ge [sflag:s23], $0x1  }
0xa5: {  	[sflag:s23] =	ssyncset.done $0x0  }
0xa6: {  	s25 =	simm.s32 $0x1B8E;
	s24 =	sld [smem:$0x3FFE];
	[sflag:s23] =	ssyncadd.s32 $0xFFFFFFFF  }
0xa7: {  	s26 =	simm.s32 $execute0_lowered;
	[smem:$0x3FD2] =	sst s25  }
0xa8: {  	s7 =	sshll.u32 s26, $0x1;
	_ =	strace $0x80000046;
	[dreg:$0x1] =	wrdreg $0xFFFFFFFF  }
0xa9: {  	s28 =	simm.s32 $_size_execute0_lowered;
	s5 =	sadd.s32 s5, s7;
	[dreg:$0x0] =	wrdreg $0x0  }
0xaa: {  	s7 =	sshll.u32 s28, $0x1;
	[dreg:$0x2] =	wrdreg s5  }
0xab: {  	[dreg:$0x3] =	wrdreg s7  }
0xac: {  	[dreg:$0x4] =	wrdreg $0xC0  }
0xad: {  	_ =	task [dreg:s9], $0x5FFFF  }
0xae: {  	[dreg:$0x1] =	wrdreg $0xFFFFFFFF  }
0xaf: {  	[dreg:$0x0] =	wrdreg $0x60  }
0xb0: {  	[dreg:$0x2] =	wrdreg s2  }
0xb1: {  	[dreg:$0x3] =	wrdreg s24  }
0xb2: {  	[dreg:$0x4] =	wrdreg s18  }
0xb3: {  	[dreg:$0x5] =	wrdreg s4  }
0xb4: {  	[dreg:$0x6] =	wrdreg $0x0  }
0xb5: {  	[dreg:$0x7] =	wrdreg $0x9  }
0xb6: {  	_ =	task.clear_ibuf [dreg:s9], $0x8FFFF;
	_ =	strace $0x90000046  }
0xb7: {  	s29 =	simm.s32 $0x9;
	_ =	strace $0x80000048  }
0xb8: {  	_ =	swait.ge [sflag:s29], $0x1  }
0xb9: {  	[sflag:s29] =	ssyncadd.s32 $0xFFFFFFFF  }
0xba: {  	_ =	strace $0x90000048  }
0xbb: {  	_ =	sfence  }
0xbc: {  	s30 =	sld [smem:$0x0];
	_ =	sdelay $0x2  }
0xbd: {  	s31 =	sshll.u32 s1, $0xD;
	s1 =	sshrl.u32 s1, $0x2  }
0xbe: {  	s3 =	sand.u32 $0x4000, s31;
	s1 =	sadd.s32 s1, s30  }
0xbf: {  	s0 =	sor.u32 s3, s0;
	s1 =	sshll.u32 s1, $0x11  }
0xc0: {  	s0 =	sor.u32 s1, s0  }
0xc1: {  	s0 =	sadd.s32 $0x8F2B, s0  }
0xc2: {  	[sflag:s0] =	ssyncadd.remote.s32 $0x1  }
0xc3: {  	_ =	sfence.sel $0xFFFF  }
0xc4: {  	[dreg:$0x0] =	wrdreg $0xFFFFFFFF;
	(pc) =	sbr.abs _section_cstart, $3  }
0xc5: {  	[dreg:$0x1] =	wrdreg $0xFFFFFFFF  }
0xc6: {  	_ =	task.clear_ibuf [dreg:s9], $0x2FFFF;
	_ =	strace $0x9FFFFFFF  }
0xc7: {  	(tm) =	ssettm $0x7FFFFFFF  }
tec
execute0_lowered:
.L_overlay_start_1:
0x0: {  	(tag) =	ssettag $0x1  }
0x1: {  	s1 =	rddreg [dreg:$0x0]  }
0x2: {  	s0 =	rddreg [dreg:$0x1]  }
0x3: {  	s2 =	rddreg [dreg:$0x3]  }
0x4: {  	s3 =	rddreg [dreg:$0x4]  }
0x5: {  	s4 =	srdreg.scid;
	s5 =	simm.s32 $0x0;
	s11 =	stileid.u32  }
0x6: {  	s28 =	simm.s32 $0x14400;
	s29 =	simm.s32 $0x4;
	s30 =	simm.s32 $0x13E80  }
0x7: {  	s31 =	simm.s32 $0x18400;
	s4 =	sand.u32 $0x1, s4;
	s8 =	smul.u32 $0x4F000, s11  }
0x8: {  	[smem:$0x7FF] =	sst s5;
	s22 =	sshll.u32 s11, $0x6;
	s23 =	smul.u32 $0x13C00, s11  }
0x9: {  	s6 =	sshll.u32 s4, $0x4;
	s7 =	ssub.s32 $0x2, s4;
	_ =	strace $0x80000047  }
0xa: {  	s4 =	smul.u32 $0x13C000, s4;
	s16 =	sor.u32 $0x1C07, s22;
	s22 =	simm.s32 $0x13F00  }
0xb: {  	s6 =	sor.u32 s11, s6;
	s9 =	sshrl.u32 s7, $0x1;
	s20 =	sshrl.u32 s8, $0x2  }
0xc: {  	s11 =	simm.s32 $0x14180;
	s8 =	simm.s32 $0x0;
	[dreg:$0x7] =	wrdreg s16  }
0xd: {  	s10 =	smul.u32 $0xA000, s6;
	s6 =	sadd.s32 $0x400, s0;
	s19 =	ssub.s32 s7, s9  }
0xe: {  	s7 =	sadd.s32 s20, s3;
	s4 =	sadd.s32 s23, s4;
	s20 =	simm.s32 $0x13C00  }
0xf: {  	s23 =	simm.s32 $0x14080;
	s9 =	simm.s32 $0x2;
	s4 =	sshrl.u32 s4, $0x3  }
0x10: {  	s0 =	smax.u32 s19, $0x1;
	s7 =	sshrl.u32 s7, $0x3;
	s19 =	simm.s32 $0x7  }
0x11: {  	s21 =	sshrl.u32 s10, $0x3;
	s13 =	sor.u32 $0xA00, s10;
	[dreg:$0xc] =	wrdreg s0  }
0x12: {  	s14 =	sor.u32 $0xC00, s10;
	s2 =	sadd.s32 s2, s4;
	[dreg:$0xd] =	wrdreg s7  }
0x13: {  	s15 =	sor.u32 $0xE00, s10;
	s12 =	sadd.s32 s6, s21;
	[dreg:$0xb] =	wrdreg s2  }
0x14: {  	s0 =	simm.s32 $0x1;
	s24 =	sadd.s32 $0x40, s12;
	[dreg:$0x6] =	wrdreg s12  }
0x15: {  	s4 =	simm.s32 $0x5;
	s25 =	sadd.s32 $0x80, s12;
	[dreg:$0x8] =	wrdreg s24  }
0x16: {  	s21 =	simm.s32 $0x13D80;
	s26 =	sadd.s32 $0xC0, s12;
	[dreg:$0x9] =	wrdreg s25  }
0x17: {  	s12 =	sor.u32 $0x800, s10;
	s10 =	simm.s32 $0x6;
	[dreg:$0xa] =	wrdreg s26  }
0x18: {  	s24 =	simm.s32 $0x3;
	s25 =	simm.s32 $0x80;
	s26 =	simm.s32 $0x13D00  }
.LBB2_1:
0x19: {  	[dreg:$0xe] =	wrdreg s8  }
0x1a: {  	s2 =	rddreg [dreg:$0x2]  }
0x1b: {  	[spmem:s7], [sflag:s16] =	dma.local [hbm:s2], $0x2780  }
0x1c: {  	_ =	swait.ge [sflag:s19], $0x2780  }
0x1d: {  	[sflag:s19] =	ssyncset.done $0x0  }
0x1e: {  	[sflag:s19] =	ssyncadd.s32 $0xFFFFD880  }
0x1f: {  	[bflag:$0x0] =	sbarrier.arrive $0xFFFF  }
0x20: {  	s8 =	rddreg [dreg:$0x6]  }
0x21: {  	[tilespmem:s20], [sflag:$0x3] =	stream.linear.gather [hbm4b:s8+s5], $0x180, $0x38;
	[tilespmem:$0x1C400] =	vst v63  }
0x22: {  	s16 =	rddreg [dreg:$0x8]  }
0x23: {  	[tilespmem:s21], [sflag:$0x4] =	stream.linear.gather [hbm4b:s16+s5], $0x180, $0x38;
	[tilespmem:$0x1C400] =	vst v63  }
0x24: {  	s17 =	rddreg [dreg:$0x9]  }
0x25: {  	[tilespmem:s22], [sflag:$0x5] =	stream.linear.gather [hbm4b:s17+s5], $0x180, $0x38;
	[tilespmem:$0x1C400] =	vst v63  }
0x26: {  	s18 =	rddreg [dreg:$0xa]  }
0x27: {  	[tilespmem:s23], [sflag:$0x6] =	stream.linear.gather [hbm4b:s18+s5], $0x180, $0x38;
	[tilespmem:$0x1C400] =	vst v63  }
0x28: {  	_ =	swait.ge [sflag:s24], $0x180  }
0x29: {  	[sflag:s24] =	ssyncset.done $0x0  }
0x2a: {  	[sflag:s24] =	ssyncadd.s32 $0xFFFFFE80  }
0x2b: {  	[tilespmem:s28], [sflag:$0x1] =	stream.indirect.gather [hbm4b:s1+s25], $0x80, s26, s25, $0xb8;
	[tilespmem:$0x1C400] =	vst v63  }
0x2c: {  	_ =	swait.ge [sflag:s29], $0x180  }
0x2d: {  	[sflag:s29] =	ssyncset.done $0x0  }
0x2e: {  	s17 =	simm.s32 $0x0;
	[sflag:s29] =	ssyncadd.s32 $0xFFFFFE80  }
0x2f: {  	[tilespmem:s31], [sflag:$0x2] =	stream.indirect.gather [hbm4b:s1+s25], $0x80, s30, s25, $0xb8;
	[tilespmem:$0x1C400] =	vst v63  }
.LBB2_2:
0x30: {  	s7 =	simm.s32 $0x0  }
0x31: {  	v0 =	vmov s7  }
0x32: {  	v0 =	vand.u32 $0x7F, v0  }
0x33: {  	v0 =	vor.u32 $0x80, v0  }
0x34: {  	_ =	swait.ge [sflag:s0], $0x4000;
	v0 =	vbroadcast v0, $0x0  }
0x35: {  	[sflag:s0] =	ssyncset.done $0x0  }
0x36: {  	s7 =	simm.s32 $0x14440;
	[sflag:s0] =	ssyncadd.s32 $0xFFFFC000  }
0x37: {  	v4 =	vld [tilespmem:s7+$0x30]  }
0x38: {  	v7 =	vld [tilespmem:s7+$0x10]  }
0x39: {  	v5 =	vld [tilespmem:s7+$0xFFFFFFC0]  }
0x3a: {  	v1 =	vld.idx.msk [tilespmem:v0+s20+$0x0], $0xffff  }
0x3b: {  	v10 =	vld [tilespmem:s7+$0xFFFFFFE0]  }
0x3c: {  	v2 =	vld [tilespmem:s7+$0x20]  }
0x3d: {  	v3 =	vld [tilespmem:s7+$0xFFFFFFD0]  }
0x3e: {  	v0 =	vld [tilespmem:s7+$0xFFFFFFF0]  }
0x3f: {  	v8 =	vmul.f32 v1, v4;
	v4 =	vld [tilespmem:s7+$0x0]  }
0x40: {  	s8 =	simm.s32 $0x1;
	v6 =	vmul.f32 v1, v5  }
0x41: {  	s18 =	simm.s32 $0x2;
	v9 =	vmov s8;
	s8 =	simm.s32 $0x14440;
	v5 =	vmul.f32 v1, v10;
	v7 =	vmul.f32 v1, v7  }
.LBB2_3:
0x42: {  	p0 =	sne.s32 s18, $0x7F  }
0x43: {  	v9 =	vand.u32 $0x7F, v9;
	v3 =	vmul.f32 v1, v3;
	v2 =	vmul.f32 v1, v2;
	[tilespmem:s7+$0x30] =	vst v8;
	s8 =	sadd.s32 $0x80, s8;
	s16 =	smov.u32 s18;
	s18 =	sadd.s32 $0x1, s18  }
0x44: {  	v8 =	vor.u32 $0x80, v9;
	[tilespmem:s7+$0xFFFFFFC0] =	vst v6;
	v6 =	vmul.f32 v1, v0;
	v1 =	vmul.f32 v1, v4  }
0x45: {  	v4 =	vbroadcast v8, $0x0;
	[tilespmem:s7+$0x10] =	vst v7  }
0x46: {  	[tilespmem:s7+$0xFFFFFFE0] =	vst v5  }
0x47: {  	v0 =	vld [tilespmem:s8+$0xFFFFFFF0];
	[tilespmem:s7+$0xFFFFFFF0] =	vst v6  }
0x48: {  	v5 =	vld [tilespmem:s8+$0x30];
	[tilespmem:s7+$0x0] =	vst v1  }
0x49: {  	v7 =	vld [tilespmem:s8+$0x10];
	[tilespmem:s7+$0x20] =	vst v2  }
0x4a: {  	v6 =	vld [tilespmem:s8+$0xFFFFFFC0];
	[tilespmem:s7+$0xFFFFFFD0] =	vst v3;
	s7 =	smov.u32 s8  }
0x4b: {  	v1 =	vld.idx.msk [tilespmem:v4+s20+$0x0], $0xffff  }
0x4c: {  	v10 =	vld [tilespmem:s8+$0xFFFFFFE0]  }
0x4d: {  	v2 =	vld [tilespmem:s8+$0x20]  }
.Ltmp0:
0x4e: {  	v3 =	vld [tilespmem:s8+$0xFFFFFFD0];
	(pc) =	sbr.rel @p0 .LBB2_3-.Ltmp0, $3  }
0x4f: {  	v4 =	vld [tilespmem:s8+$0x0];
	_ =	sdelay $0x1  }
0x50: {  	v6 =	vmul.f32 v1, v6;
	v8 =	vmul.f32 v1, v5  }
0x51: {  	v9 =	vmov s16;
	v7 =	vmul.f32 v1, v7;
	v5 =	vmul.f32 v1, v10  }
0x52: {  	[tilespmem:s7+$0xFFFFFFC0] =	vst v6;
	v6 =	vand.u32 $0x7F, v9  }
0x53: {  	[tilespmem:s7+$0x30] =	vst v8;
	v6 =	vor.u32 $0x80, v6  }
0x54: {  	v0 =	vmul.f32 v1, v0;
	[tilespmem:s7+$0xFFFFFFE0] =	vst v5;
	v5 =	vbroadcast v6, $0x0  }
0x55: {  	s8 =	sadd.s32 $0x80, s8;
	[tilespmem:s7+$0x10] =	vst v7;
	v4 =	vmul.f32 v1, v4  }
0x56: {  	v2 =	vmul.f32 v1, v2;
	v6 =	vld [tilespmem:s8+$0xFFFFFFF0];
	[tilespmem:s7+$0xFFFFFFF0] =	vst v0  }
0x57: {  	v1 =	vmul.f32 v1, v3;
	v0 =	vld [tilespmem:s8+$0x30];
	[tilespmem:s7+$0x0] =	vst v4  }
0x58: {  	v3 =	vld [tilespmem:s8+$0x10];
	[tilespmem:s7+$0x20] =	vst v2  }
0x59: {  	v2 =	vld [tilespmem:s8+$0xFFFFFFC0];
	[tilespmem:s7+$0xFFFFFFD0] =	vst v1  }
0x5a: {  	v1 =	vld.idx.msk [tilespmem:v5+s20+$0x0], $0xffff;
	_ =	sdelay $0x2  }
0x5b: {  	v4 =	vld [tilespmem:s8+$0xFFFFFFE0];
	_ =	sdelay $0x1  }
0x5c: {  	v5 =	vld [tilespmem:s8+$0x0];
	v0 =	vmul.f32 v1, v0  }
0x5d: {  	v7 =	vld [tilespmem:s8+$0x20];
	v2 =	vmul.f32 v1, v2  }
0x5e: {  	v8 =	vld [tilespmem:s8+$0xFFFFFFD0];
	v3 =	vmul.f32 v1, v3;
	[tilespmem:s8+$0x30] =	vst v0  }
0x5f: {  	v0 =	vmul.f32 v1, v4;
	[tilespmem:s8+$0xFFFFFFC0] =	vst v2  }
0x60: {  	v2 =	vmul.f32 v1, v6;
	[tilespmem:s8+$0x10] =	vst v3  }
0x61: {  	v3 =	vmul.f32 v1, v5;
	[tilespmem:s8+$0xFFFFFFE0] =	vst v0  }
0x62: {  	v0 =	vmul.f32 v1, v7;
	[tilespmem:s8+$0xFFFFFFF0] =	vst v2  }
0x63: {  	s7 =	sshll.u32 s17, $0x2;
	v1 =	vmul.f32 v1, v8;
	[tilespmem:s8+$0x0] =	vst v3  }
0x64: {  	s18 =	smin.u32 s7, $0x4B;
	[tilespmem:s8+$0x20] =	vst v0  }
0x65: {  	[tilespmem:s8+$0xFFFFFFD0] =	vst v1;
	s8 =	sshll.u32 s18, $0x9  }
0x66: {  	[spmem:s3] =	stream.indirect.scatter.add.f32 [tilespmem:s28], [sflag:$0x7], $0x80, s20, s25, $0xb8;
	[tilespmem:$0x1C400] =	vst v63  }
0x67: {  	s8 =	sadd.s32 s8, s12;
	_ =	swait.ge [sflag:s19], $0x4000  }
0x68: {  	s8 =	sshrl.u32 s8, $0x3;
	[sflag:s19] =	ssyncset.done $0x0  }
0x69: {  	s16 =	simm.s32 $0x0;
	s8 =	sadd.s32 s6, s8;
	[sflag:s19] =	ssyncadd.s32 $0xFFFFC000  }
0x6a: {  	[tilespmem:s20], [sflag:$0x3] =	stream.linear.gather [hbm4b:s8+s16], $0x180, $0x38;
	[tilespmem:$0x1C400] =	vst v63  }
0x6b: {  	_ =	swait.ge [sflag:s4], $0x180  }
0x6c: {  	v0 =	vmov s16;
	[sflag:s4] =	ssyncset.done $0x0  }
0x6d: {  	s2 =	simm.s32 $0x14000;
	v0 =	vand.u32 $0x7F, v0;
	[sflag:s4] =	ssyncadd.s32 $0xFFFFFE80  }
0x6e: {  	v0 =	vor.u32 $0x200, v0;
	[tilespmem:s28], [sflag:$0x1] =	stream.indirect.gather [hbm4b:s1+s25], $0x80, s2, s25, $0xb8;
	[tilespmem:$0x1C400] =	vst v63  }
0x6f: {  	v0 =	vbroadcast v0, $0x0;
	_ =	swait.ge [sflag:s9], $0x4000  }
0x70: {  	[sflag:s9] =	ssyncset.done $0x0  }
0x71: {  	s8 =	simm.s32 $0x18440;
	[sflag:s9] =	ssyncadd.s32 $0xFFFFC000  }
0x72: {  	v4 =	vld [tilespmem:s8+$0x30]  }
0x73: {  	v7 =	vld [tilespmem:s8+$0x10]  }
0x74: {  	v5 =	vld [tilespmem:s8+$0xFFFFFFC0]  }
0x75: {  	v1 =	vld.idx.msk [tilespmem:v0+s20+$0x0], $0xffff  }
0x76: {  	v10 =	vld [tilespmem:s8+$0xFFFFFFE0]  }
0x77: {  	v0 =	vld [tilespmem:s8+$0xFFFFFFF0]  }
0x78: {  	v2 =	vld [tilespmem:s8+$0x20]  }
0x79: {  	v3 =	vld [tilespmem:s8+$0xFFFFFFD0]  }
0x7a: {  	v8 =	vmul.f32 v1, v4;
	v4 =	vld [tilespmem:s8+$0x0]  }
0x7b: {  	s18 =	simm.s32 $0x1;
	v6 =	vmul.f32 v1, v5  }
0x7c: {  	v9 =	vmov s18;
	s18 =	simm.s32 $0x18440;
	s16 =	simm.s32 $0x2;
	v5 =	vmul.f32 v1, v10;
	v7 =	vmul.f32 v1, v7  }
.LBB2_5:
0x7d: {  	p0 =	sne.s32 s16, $0x7F  }
0x7e: {  	v9 =	vand.u32 $0x7F, v9;
	v3 =	vmul.f32 v1, v3;
	v2 =	vmul.f32 v1, v2;
	[tilespmem:s8+$0x30] =	vst v8;
	s18 =	sadd.s32 $0x80, s18;
	s2 =	smov.u32 s16;
	s16 =	sadd.s32 $0x1, s16  }
0x7f: {  	v8 =	vor.u32 $0x200, v9;
	[tilespmem:s8+$0xFFFFFFC0] =	vst v6;
	v6 =	vmul.f32 v1, v0;
	v1 =	vmul.f32 v1, v4  }
0x80: {  	v4 =	vbroadcast v8, $0x0;
	[tilespmem:s8+$0x10] =	vst v7  }
0x81: {  	[tilespmem:s8+$0xFFFFFFE0] =	vst v5  }
0x82: {  	v0 =	vld [tilespmem:s18+$0xFFFFFFF0];
	[tilespmem:s8+$0xFFFFFFF0] =	vst v6  }
0x83: {  	v5 =	vld [tilespmem:s18+$0x30];
	[tilespmem:s8+$0x0] =	vst v1  }
0x84: {  	v7 =	vld [tilespmem:s18+$0x10];
	[tilespmem:s8+$0x20] =	vst v2  }
0x85: {  	v6 =	vld [tilespmem:s18+$0xFFFFFFC0];
	[tilespmem:s8+$0xFFFFFFD0] =	vst v3;
	s8 =	smov.u32 s18  }
0x86: {  	v1 =	vld.idx.msk [tilespmem:v4+s20+$0x0], $0xffff  }
0x87: {  	v10 =	vld [tilespmem:s18+$0xFFFFFFE0]  }
0x88: {  	v2 =	vld [tilespmem:s18+$0x20]  }
.Ltmp1:
0x89: {  	v3 =	vld [tilespmem:s18+$0xFFFFFFD0];
	(pc) =	sbr.rel @p0 .LBB2_5-.Ltmp1, $3  }
0x8a: {  	v4 =	vld [tilespmem:s18+$0x0];
	_ =	sdelay $0x1  }
0x8b: {  	v6 =	vmul.f32 v1, v6;
	v8 =	vmul.f32 v1, v5  }
0x8c: {  	v9 =	vmov s2;
	v7 =	vmul.f32 v1, v7;
	v5 =	vmul.f32 v1, v10  }
0x8d: {  	[tilespmem:s8+$0xFFFFFFC0] =	vst v6;
	v6 =	vand.u32 $0x7F, v9  }
0x8e: {  	[tilespmem:s8+$0x30] =	vst v8;
	v6 =	vor.u32 $0x200, v6  }
0x8f: {  	v0 =	vmul.f32 v1, v0;
	[tilespmem:s8+$0xFFFFFFE0] =	vst v5;
	v5 =	vbroadcast v6, $0x0  }
0x90: {  	s2 =	sadd.s32 $0x80, s18;
	[tilespmem:s8+$0x10] =	vst v7;
	v4 =	vmul.f32 v1, v4  }
0x91: {  	v2 =	vmul.f32 v1, v2;
	v6 =	vld [tilespmem:s2+$0xFFFFFFF0];
	[tilespmem:s8+$0xFFFFFFF0] =	vst v0  }
0x92: {  	v1 =	vmul.f32 v1, v3;
	v0 =	vld [tilespmem:s2+$0x30];
	[tilespmem:s8+$0x0] =	vst v4  }
0x93: {  	v3 =	vld [tilespmem:s2+$0x10];
	[tilespmem:s8+$0x20] =	vst v2  }
0x94: {  	v2 =	vld [tilespmem:s2+$0xFFFFFFC0];
	[tilespmem:s8+$0xFFFFFFD0] =	vst v1  }
0x95: {  	v1 =	vld.idx.msk [tilespmem:v5+s20+$0x0], $0xffff;
	_ =	sdelay $0x2  }
0x96: {  	v4 =	vld [tilespmem:s2+$0xFFFFFFE0];
	_ =	sdelay $0x1  }
0x97: {  	v5 =	vld [tilespmem:s2+$0x0];
	v0 =	vmul.f32 v1, v0  }
0x98: {  	v7 =	vld [tilespmem:s2+$0x20];
	v2 =	vmul.f32 v1, v2  }
0x99: {  	v8 =	vld [tilespmem:s2+$0xFFFFFFD0];
	v3 =	vmul.f32 v1, v3;
	[tilespmem:s2+$0x30] =	vst v0  }
0x9a: {  	v0 =	vmul.f32 v1, v4;
	[tilespmem:s2+$0xFFFFFFC0] =	vst v2  }
0x9b: {  	v2 =	vmul.f32 v1, v6;
	[tilespmem:s2+$0x10] =	vst v3  }
0x9c: {  	v3 =	vmul.f32 v1, v5;
	[tilespmem:s2+$0xFFFFFFE0] =	vst v0  }
0x9d: {  	v0 =	vmul.f32 v1, v7;
	[tilespmem:s2+$0xFFFFFFF0] =	vst v2  }
0x9e: {  	v1 =	vmul.f32 v1, v8;
	[tilespmem:s2+$0x0] =	vst v3  }
0x9f: {  	s8 =	smin.u32 s7, $0x4A;
	[tilespmem:s2+$0x20] =	vst v0  }
0xa0: {  	[tilespmem:s2+$0xFFFFFFD0] =	vst v1;
	s2 =	sshll.u32 s8, $0x9  }
0xa1: {  	[spmem:s3] =	stream.indirect.scatter.add.f32 [tilespmem:s31], [sflag:$0x7], $0x80, s21, s25, $0xb8;
	[tilespmem:$0x1C400] =	vst v63  }
0xa2: {  	s2 =	sadd.s32 s2, s13;
	_ =	swait.ge [sflag:s19], $0x4000  }
0xa3: {  	s2 =	sshrl.u32 s2, $0x3;
	[sflag:s19] =	ssyncset.done $0x0  }
0xa4: {  	s16 =	simm.s32 $0x0;
	s2 =	sadd.s32 s6, s2;
	[sflag:s19] =	ssyncadd.s32 $0xFFFFC000  }
0xa5: {  	[tilespmem:s21], [sflag:$0x4] =	stream.linear.gather [hbm4b:s2+s16], $0x180, $0x38;
	[tilespmem:$0x1C400] =	vst v63  }
0xa6: {  	_ =	swait.ge [sflag:s10], $0x180  }
0xa7: {  	v0 =	vmov s16;
	[sflag:s10] =	ssyncset.done $0x0  }
0xa8: {  	v0 =	vand.u32 $0x7F, v0;
	[sflag:s10] =	ssyncadd.s32 $0xFFFFFE80  }
0xa9: {  	v0 =	vor.u32 $0x380, v0;
	[tilespmem:s31], [sflag:$0x2] =	stream.indirect.gather [hbm4b:s1+s25], $0x80, s11, s25, $0xb8;
	[tilespmem:$0x1C400] =	vst v63  }
0xaa: {  	v0 =	vbroadcast v0, $0x0;
	_ =	swait.ge [sflag:s0], $0x4000  }
0xab: {  	[sflag:s0] =	ssyncset.done $0x0  }
0xac: {  	s8 =	simm.s32 $0x14440;
	[sflag:s0] =	ssyncadd.s32 $0xFFFFC000  }
0xad: {  	v4 =	vld [tilespmem:s8+$0x30]  }
0xae: {  	v7 =	vld [tilespmem:s8+$0x10]  }
0xaf: {  	v5 =	vld [tilespmem:s8+$0xFFFFFFC0]  }
0xb0: {  	v1 =	vld.idx.msk [tilespmem:v0+s20+$0x0], $0xffff  }
0xb1: {  	v10 =	vld [tilespmem:s8+$0xFFFFFFE0]  }
0xb2: {  	v0 =	vld [tilespmem:s8+$0xFFFFFFF0]  }
0xb3: {  	v2 =	vld [tilespmem:s8+$0x20]  }
0xb4: {  	v3 =	vld [tilespmem:s8+$0xFFFFFFD0]  }
0xb5: {  	v8 =	vmul.f32 v1, v4;
	v4 =	vld [tilespmem:s8+$0x0]  }
0xb6: {  	s18 =	simm.s32 $0x1;
	v6 =	vmul.f32 v1, v5  }
0xb7: {  	v9 =	vmov s18;
	s18 =	simm.s32 $0x14440;
	s16 =	simm.s32 $0x2;
	v5 =	vmul.f32 v1, v10;
	v7 =	vmul.f32 v1, v7  }
.LBB2_7:
0xb8: {  	p0 =	sne.s32 s16, $0x7F  }
0xb9: {  	v9 =	vand.u32 $0x7F, v9;
	v3 =	vmul.f32 v1, v3;
	v2 =	vmul.f32 v1, v2;
	[tilespmem:s8+$0x30] =	vst v8;
	s18 =	sadd.s32 $0x80, s18;
	s2 =	smov.u32 s16;
	s16 =	sadd.s32 $0x1, s16  }
0xba: {  	v8 =	vor.u32 $0x380, v9;
	[tilespmem:s8+$0xFFFFFFC0] =	vst v6;
	v6 =	vmul.f32 v1, v0;
	v1 =	vmul.f32 v1, v4  }
0xbb: {  	v4 =	vbroadcast v8, $0x0;
	[tilespmem:s8+$0x10] =	vst v7  }
0xbc: {  	[tilespmem:s8+$0xFFFFFFE0] =	vst v5  }
0xbd: {  	v0 =	vld [tilespmem:s18+$0xFFFFFFF0];
	[tilespmem:s8+$0xFFFFFFF0] =	vst v6  }
0xbe: {  	v5 =	vld [tilespmem:s18+$0x30];
	[tilespmem:s8+$0x0] =	vst v1  }
0xbf: {  	v7 =	vld [tilespmem:s18+$0x10];
	[tilespmem:s8+$0x20] =	vst v2  }
0xc0: {  	v6 =	vld [tilespmem:s18+$0xFFFFFFC0];
	[tilespmem:s8+$0xFFFFFFD0] =	vst v3;
	s8 =	smov.u32 s18  }
0xc1: {  	v1 =	vld.idx.msk [tilespmem:v4+s20+$0x0], $0xffff  }
0xc2: {  	v10 =	vld [tilespmem:s18+$0xFFFFFFE0]  }
0xc3: {  	v2 =	vld [tilespmem:s18+$0x20]  }
.Ltmp2:
0xc4: {  	v3 =	vld [tilespmem:s18+$0xFFFFFFD0];
	(pc) =	sbr.rel @p0 .LBB2_7-.Ltmp2, $3  }
0xc5: {  	v4 =	vld [tilespmem:s18+$0x0];
	_ =	sdelay $0x1  }
0xc6: {  	v6 =	vmul.f32 v1, v6;
	v8 =	vmul.f32 v1, v5  }
0xc7: {  	v9 =	vmov s2;
	v7 =	vmul.f32 v1, v7;
	v5 =	vmul.f32 v1, v10  }
0xc8: {  	[tilespmem:s8+$0xFFFFFFC0] =	vst v6;
	v6 =	vand.u32 $0x7F, v9  }
0xc9: {  	[tilespmem:s8+$0x30] =	vst v8;
	v6 =	vor.u32 $0x380, v6  }
0xca: {  	v0 =	vmul.f32 v1, v0;
	[tilespmem:s8+$0xFFFFFFE0] =	vst v5;
	v5 =	vbroadcast v6, $0x0  }
0xcb: {  	s2 =	sadd.s32 $0x80, s18;
	[tilespmem:s8+$0x10] =	vst v7;
	v4 =	vmul.f32 v1, v4  }
0xcc: {  	v2 =	vmul.f32 v1, v2;
	v6 =	vld [tilespmem:s2+$0xFFFFFFF0];
	[tilespmem:s8+$0xFFFFFFF0] =	vst v0  }
0xcd: {  	v1 =	vmul.f32 v1, v3;
	v0 =	vld [tilespmem:s2+$0x30];
	[tilespmem:s8+$0x0] =	vst v4  }
0xce: {  	v3 =	vld [tilespmem:s2+$0x10];
	[tilespmem:s8+$0x20] =	vst v2  }
0xcf: {  	v2 =	vld [tilespmem:s2+$0xFFFFFFC0];
	[tilespmem:s8+$0xFFFFFFD0] =	vst v1  }
0xd0: {  	v1 =	vld.idx.msk [tilespmem:v5+s20+$0x0], $0xffff;
	_ =	sdelay $0x2  }
0xd1: {  	v4 =	vld [tilespmem:s2+$0xFFFFFFE0];
	_ =	sdelay $0x1  }
0xd2: {  	v5 =	vld [tilespmem:s2+$0x0];
	v0 =	vmul.f32 v1, v0  }
0xd3: {  	v7 =	vld [tilespmem:s2+$0x20];
	v2 =	vmul.f32 v1, v2  }
0xd4: {  	v8 =	vld [tilespmem:s2+$0xFFFFFFD0];
	v3 =	vmul.f32 v1, v3;
	[tilespmem:s2+$0x30] =	vst v0  }
0xd5: {  	v0 =	vmul.f32 v1, v4;
	[tilespmem:s2+$0xFFFFFFC0] =	vst v2  }
0xd6: {  	v2 =	vmul.f32 v1, v6;
	[tilespmem:s2+$0x10] =	vst v3  }
0xd7: {  	v3 =	vmul.f32 v1, v5;
	[tilespmem:s2+$0xFFFFFFE0] =	vst v0  }
0xd8: {  	v0 =	vmul.f32 v1, v7;
	[tilespmem:s2+$0xFFFFFFF0] =	vst v2  }
0xd9: {  	v1 =	vmul.f32 v1, v8;
	[tilespmem:s2+$0x0] =	vst v3  }
0xda: {  	s8 =	smin.u32 s7, $0x49;
	[tilespmem:s2+$0x20] =	vst v0  }
0xdb: {  	[tilespmem:s2+$0xFFFFFFD0] =	vst v1;
	s2 =	sshll.u32 s8, $0x9  }
0xdc: {  	[spmem:s3] =	stream.indirect.scatter.add.f32 [tilespmem:s28], [sflag:$0x7], $0x80, s22, s25, $0xb8;
	[tilespmem:$0x1C400] =	vst v63  }
0xdd: {  	s2 =	sadd.s32 s2, s14;
	_ =	swait.ge [sflag:s19], $0x4000  }
0xde: {  	s2 =	sshrl.u32 s2, $0x3;
	[sflag:s19] =	ssyncset.done $0x0  }
0xdf: {  	s16 =	simm.s32 $0x0;
	s2 =	sadd.s32 s6, s2;
	[sflag:s19] =	ssyncadd.s32 $0xFFFFC000  }
0xe0: {  	[tilespmem:s22], [sflag:$0x5] =	stream.linear.gather [hbm4b:s2+s16], $0x180, $0x38;
	[tilespmem:$0x1C400] =	vst v63  }
0xe1: {  	_ =	swait.ge [sflag:s24], $0x180  }
0xe2: {  	v0 =	vmov s16;
	[sflag:s24] =	ssyncset.done $0x0  }
0xe3: {  	v0 =	vand.u32 $0x7F, v0;
	[sflag:s24] =	ssyncadd.s32 $0xFFFFFE80  }
0xe4: {  	v0 =	vor.u32 $0x500, v0;
	[tilespmem:s28], [sflag:$0x1] =	stream.indirect.gather [hbm4b:s1+s25], $0x80, s26, s25, $0xb8;
	[tilespmem:$0x1C400] =	vst v63  }
0xe5: {  	v0 =	vbroadcast v0, $0x0;
	_ =	swait.ge [sflag:s9], $0x4000  }
0xe6: {  	[sflag:s9] =	ssyncset.done $0x0  }
0xe7: {  	s8 =	simm.s32 $0x18440;
	[sflag:s9] =	ssyncadd.s32 $0xFFFFC000  }
0xe8: {  	v4 =	vld [tilespmem:s8+$0x30]  }
0xe9: {  	v7 =	vld [tilespmem:s8+$0x10]  }
0xea: {  	v5 =	vld [tilespmem:s8+$0xFFFFFFC0]  }
0xeb: {  	v1 =	vld.idx.msk [tilespmem:v0+s20+$0x0], $0xffff  }
0xec: {  	v10 =	vld [tilespmem:s8+$0xFFFFFFE0]  }
0xed: {  	v0 =	vld [tilespmem:s8+$0xFFFFFFF0]  }
0xee: {  	v2 =	vld [tilespmem:s8+$0x20]  }
0xef: {  	v3 =	vld [tilespmem:s8+$0xFFFFFFD0]  }
0xf0: {  	v8 =	vmul.f32 v1, v4;
	v4 =	vld [tilespmem:s8+$0x0]  }
0xf1: {  	s18 =	simm.s32 $0x1;
	v6 =	vmul.f32 v1, v5  }
0xf2: {  	v9 =	vmov s18;
	s18 =	simm.s32 $0x18440;
	s16 =	simm.s32 $0x2;
	v5 =	vmul.f32 v1, v10;
	v7 =	vmul.f32 v1, v7  }
.LBB2_9:
0xf3: {  	p0 =	sne.s32 s16, $0x7F  }
0xf4: {  	v9 =	vand.u32 $0x7F, v9;
	v3 =	vmul.f32 v1, v3;
	v2 =	vmul.f32 v1, v2;
	[tilespmem:s8+$0x30] =	vst v8;
	s18 =	sadd.s32 $0x80, s18;
	s2 =	smov.u32 s16;
	s16 =	sadd.s32 $0x1, s16  }
0xf5: {  	v8 =	vor.u32 $0x500, v9;
	[tilespmem:s8+$0xFFFFFFC0] =	vst v6;
	v6 =	vmul.f32 v1, v0;
	v1 =	vmul.f32 v1, v4  }
0xf6: {  	v4 =	vbroadcast v8, $0x0;
	[tilespmem:s8+$0x10] =	vst v7  }
0xf7: {  	[tilespmem:s8+$0xFFFFFFE0] =	vst v5  }
0xf8: {  	v0 =	vld [tilespmem:s18+$0xFFFFFFF0];
	[tilespmem:s8+$0xFFFFFFF0] =	vst v6  }
0xf9: {  	v5 =	vld [tilespmem:s18+$0x30];
	[tilespmem:s8+$0x0] =	vst v1  }
0xfa: {  	v7 =	vld [tilespmem:s18+$0x10];
	[tilespmem:s8+$0x20] =	vst v2  }
0xfb: {  	v6 =	vld [tilespmem:s18+$0xFFFFFFC0];
	[tilespmem:s8+$0xFFFFFFD0] =	vst v3;
	s8 =	smov.u32 s18  }
0xfc: {  	v1 =	vld.idx.msk [tilespmem:v4+s20+$0x0], $0xffff  }
0xfd: {  	v10 =	vld [tilespmem:s18+$0xFFFFFFE0]  }
0xfe: {  	v2 =	vld [tilespmem:s18+$0x20]  }
.Ltmp3:
0xff: {  	v3 =	vld [tilespmem:s18+$0xFFFFFFD0];
	(pc) =	sbr.rel @p0 .LBB2_9-.Ltmp3, $3  }
0x100: {  	v4 =	vld [tilespmem:s18+$0x0];
	_ =	sdelay $0x1  }
0x101: {  	v6 =	vmul.f32 v1, v6;
	v8 =	vmul.f32 v1, v5  }
0x102: {  	v9 =	vmov s2;
	v7 =	vmul.f32 v1, v7;
	v5 =	vmul.f32 v1, v10  }
0x103: {  	[tilespmem:s8+$0x30] =	vst v8;
	v51 =	vand.u32 $0x7F, v9  }
0x104: {  	[tilespmem:s8+$0xFFFFFFC0] =	vst v6;
	v6 =	vor.u32 $0x500, v51  }
0x105: {  	v0 =	vmul.f32 v1, v0;
	[tilespmem:s8+$0x10] =	vst v7;
	v52 =	vbroadcast v6, $0x0  }
0x106: {  	s2 =	sadd.s32 $0x80, s18;
	[tilespmem:s8+$0xFFFFFFE0] =	vst v5;
	v4 =	vmul.f32 v1, v4  }
0x107: {  	v55 =	vmul.f32 v1, v3;
	v53 =	vld [tilespmem:s2+$0xFFFFFFF0];
	[tilespmem:s8+$0xFFFFFFF0] =	vst v0  }
0x108: {  	v2 =	vmul.f32 v1, v2;
	v54 =	vld [tilespmem:s2+$0x30];
	[tilespmem:s8+$0x0] =	vst v4  }
0x109: {  	v57 =	vld [tilespmem:s2+$0xFFFFFFC0];
	[tilespmem:s8+$0xFFFFFFD0] =	vst v55  }
0x10a: {  	v56 =	vld [tilespmem:s2+$0x10];
	[tilespmem:s8+$0x20] =	vst v2  }
0x10b: {  	v1 =	vld.idx.msk [tilespmem:v52+s20+$0x0], $0xffff;
	_ =	sdelay $0x2  }
0x10c: {  	v4 =	vld [tilespmem:s2+$0xFFFFFFE0];
	_ =	sdelay $0x1  }
0x10d: {  	v58 =	vld [tilespmem:s2+$0x0];
	v0 =	vmul.f32 v1, v54  }
0x10e: {  	v7 =	vld [tilespmem:s2+$0x20];
	v2 =	vmul.f32 v1, v57  }
0x10f: {  	v59 =	vld [tilespmem:s2+$0xFFFFFFD0];
	v3 =	vmul.f32 v1, v56;
	[tilespmem:s2+$0x30] =	vst v0  }
0x110: {  	v60 =	vmul.f32 v1, v4;
	[tilespmem:s2+$0xFFFFFFC0] =	vst v2  }
0x111: {  	v61 =	vmul.f32 v1, v53;
	[tilespmem:s2+$0x10] =	vst v3  }
0x112: {  	v62 =	vmul.f32 v1, v58;
	[tilespmem:s2+$0xFFFFFFE0] =	vst v60  }
0x113: {  	v63 =	vmul.f32 v1, v7;
	[tilespmem:s2+$0xFFFFFFF0] =	vst v61  }
0x114: {  	v1 =	vmul.f32 v1, v59;
	[tilespmem:s2+$0x0] =	vst v62  }
0x115: {  	s18 =	smin.u32 s7, $0x48;
	[tilespmem:s2+$0x20] =	vst v63  }
0x116: {  	[tilespmem:s2+$0xFFFFFFD0] =	vst v1;
	s2 =	sshll.u32 s18, $0x9  }
0x117: {  	[spmem:s3] =	stream.indirect.scatter.add.f32 [tilespmem:s31], [sflag:$0x7], $0x80, s23, s25, $0xb8;
	[tilespmem:$0x1C400] =	vst v63  }
0x118: {  	s2 =	sadd.s32 s2, s15;
	_ =	swait.ge [sflag:s19], $0x4000  }
0x119: {  	s17 =	sadd.s32 $0x1, s17;
	s2 =	sshrl.u32 s2, $0x3;
	[sflag:s19] =	ssyncset.done $0x0  }
0x11a: {  	p0 =	sne.s32 s17, $0x14;
	s2 =	sadd.s32 s6, s2;
	[sflag:s19] =	ssyncadd.s32 $0xFFFFC000  }
0x11b: {  	[tilespmem:s23], [sflag:$0x6] =	stream.linear.gather [hbm4b:s2+s5], $0x180, $0x38;
	[tilespmem:$0x1C400] =	vst v63  }
.Ltmp4:
0x11c: {  	_ = 	snop;
	(pc) =	sbr.rel @p0 .LBB2_2-.Ltmp4, $4  }
0x11d: {  	_ =	swait.ge [sflag:s29], $0x180  }
0x11e: {  	[sflag:s29] =	ssyncset.done $0x0  }
0x11f: {  	[sflag:s29] =	ssyncadd.s32 $0xFFFFFE80  }
0x120: {  	[tilespmem:s31], [sflag:$0x2] =	stream.indirect.gather [hbm4b:s1+s25], $0x80, s30, s25, $0xb8;
	[tilespmem:$0x1C400] =	vst v63  }
0x121: {  	_ =	swait.ge [sflag:s0], $0x4000  }
0x122: {  	[sflag:s0] =	ssyncset.done $0x0  }
0x123: {  	[sflag:s0] =	ssyncadd.s32 $0xFFFFC000  }
0x124: {  	_ =	swait.ge [sflag:s9], $0x4000  }
0x125: {  	[sflag:s9] =	ssyncset.done $0x0  }
0x126: {  	[sflag:s9] =	ssyncadd.s32 $0xFFFFC000  }
0x127: {  	_ =	swait.ge [sflag:s4], $0x180  }
0x128: {  	[sflag:s4] =	ssyncset.done $0x0  }
0x129: {  	[sflag:s4] =	ssyncadd.s32 $0xFFFFFE80  }
0x12a: {  	_ =	swait.ge [sflag:s10], $0x180  }
0x12b: {  	[sflag:s10] =	ssyncset.done $0x0  }
0x12c: {  	[sflag:s10] =	ssyncadd.s32 $0xFFFFFE80  }
0x12d: {  	[bflag:$0x0] =	sbarrier.arrive $0xFFFF  }
0x12e: {  	s16 =	rddreg [dreg:$0x7]  }
0x12f: {  	s2 =	rddreg [dreg:$0xb]  }
0x130: {  	s7 =	rddreg [dreg:$0xd]  }
0x131: {  	[hbm:s2], [sflag:s16] =	dma.local [spmem:s7], $0x2780  }
0x132: {  	_ =	swait.ge [sflag:s19], $0x2780  }
0x133: {  	s8 =	rddreg [dreg:$0xe]  }
0x134: {  	s18 =	rddreg [dreg:$0xc];
	s8 =	sadd.s32 $0x1, s8  }
0x135: {  	p0 =	sne.s32 s8, s18  }
.Ltmp5:
0x136: {  	_ = 	snop;
	(pc) =	sbr.rel @p0 .LBB2_1-.Ltmp5, $3  }
0x137: {  	_ =	sdelay $0x1  }
0x138: {  	[sflag:s19] =	ssyncset.done $0x0  }
0x139: {  	[sflag:s19] =	ssyncadd.s32 $0xFFFFD880  }
0x13a: {  	_ =	sfence.sel $0x180000  }
0x13b: {  	[bflag:$0x0] =	sbarrier.arrive $0xFFFF  }
0x13c: {  	_ =	strace $0x90000047  }
0x13d: {  	s0 =	stileid.u32;
	[bflag:$0x2] =	sbarrier.arrive $0xFFFF  }
0x13e: {  	p0 =	sne.s32 s0, $0x0;
	s0 =	rddreg [dreg:$0x5]  }
0x13f: {  	s0 =	sadd.s32 @!p0 $0x100000, s0  }
0x140: {  	[sflag:s0] =	ssyncadd.tile.s32 @!p0 $0x1;
	_ =	shalt  }
.Lfunc_end2:
_tile_overlayer_lowered:
.L_overlay_start_2:
0x141: {  	(tag) =	ssettag $0x2  }
0x142: {  	s0 =	rddreg [dreg:$0x0];
	s2 =	stileid.u32  }
0x143: {  	s1 =	rddreg [dreg:$0x1];
	p0 =	sne.s32 s2, $0x0  }
0x144: {  	s3 =	rddreg [dreg:$0x2];
	[bflag:$0x3] =	sbarrier.arrive $0xFFFF;
	s2 =	simm.s32 @!p0 $0x1C07  }
0x145: {  	[timem:s3], [sflag:s2] =	dma.local @!p0 [hbm:s0], s1  }
0x146: {  	s0 =	simm.s32 @!p0 $0x7  }
0x147: {  	_ =	swait.ge @!p0 [sflag:s0], s1  }
0x148: {  	s1 =	ssub.s32 @!p0 $0x0, s1;
	[sflag:s0] =	ssyncset.done @!p0 $0x0  }
0x149: {  	[sflag:s0] =	ssyncadd.s32 @!p0 s1  }
0x14a: {  	[bflag:$0x3] =	sbarrier.arrive $0xFFFF  }
0x14b: {  	_ =	shalt  }

</sc_bundles>
